<compile_context>
chip_gen: v7x
topology: tpu7x:2x2x1
jax: 0.10.2.dev20260603
libtpu: 0.0.44.dev20260713+nightly
codegen_flags: <defaults>
</compile_context>

<pallas_src>
import functools

import jax
import jax.numpy as jnp
from jax import lax
from jax.experimental import pallas as pl
from jax.experimental.pallas import tpu as pltpu
from jax.experimental.pallas import tpu_sc as plsc

DIM = 64
NUM_ROWS = 1000000
BATCH = 4096
SEQ = 50
NUM_CORES = 2
NUM_SUBCORES = 16
NUM_WORKERS = NUM_CORES * NUM_SUBCORES
CHUNK = 64
NBUF = 10
TR = 16384
TR_SHIFT = 14
NUM_IN_BLOCKS = -(-NUM_ROWS // TR)
NUM_OUT_BLOCKS = -(-NUM_IN_BLOCKS // 2)
PAIR_ROWS = NUM_OUT_BLOCKS * TR
SELS = 5


def _pair_transpose(emb_t):

    def body(lo_ref, hi_ref, out_ref):
        out_ref[...] = jnp.concatenate([lo_ref[...], hi_ref[...]], axis=0).T

    in_cap = NUM_IN_BLOCKS - 1

    return pl.pallas_call(
        body,
        grid=(NUM_OUT_BLOCKS,),
        in_specs=[
            pl.BlockSpec((DIM, TR), lambda i: (0, jnp.minimum(2 * i, in_cap))),
            pl.BlockSpec((DIM, TR), lambda i: (0, jnp.minimum(2 * i + 1, in_cap))),
        ],
        out_specs=pl.BlockSpec((TR, 2 * DIM), lambda i: (i, 0)),
        out_shape=jax.ShapeDtypeStruct((PAIR_ROWS, 2 * DIM), emb_t.dtype),
        compiler_params=pltpu.CompilerParams(
            dimension_semantics=("arbitrary",),
        ),
    )(emb_t, emb_t)


def _sc_gather(table2, idx_pair):
    num_indices = idx_pair.shape[0]
    rows_per_worker = num_indices // NUM_WORKERS
    num_chunks = rows_per_worker // CHUNK
    mesh = plsc.VectorSubcoreMesh(core_axis_name="c", subcore_axis_name="s")

    @functools.partial(
        pl.kernel,
        mesh=mesh,
        out_type=jax.ShapeDtypeStruct((num_indices, 2 * DIM), table2.dtype),
        scratch_types=[
            pltpu.VMEM((rows_per_worker,), jnp.int32),
            pltpu.VMEM((NBUF, CHUNK, 2 * DIM), table2.dtype),
            pltpu.SemaphoreType.DMA((NBUF,)),
            pltpu.SemaphoreType.DMA((NBUF,)),
        ],
    )
    def gather_kernel(table_hbm, idx_hbm, out_hbm, idx_v, rows_v, gsem, ssem):
        wid = lax.axis_index("s") * NUM_CORES + lax.axis_index("c")
        base = wid * rows_per_worker
        pltpu.sync_copy(idx_hbm.at[pl.ds(base, rows_per_worker)], idx_v)

        def start_gather(c, b):
            pltpu.async_copy(
                table_hbm.at[idx_v.at[pl.ds(c * CHUNK, CHUNK)]],
                rows_v.at[b],
                gsem.at[b],
            )

        for b in range(NBUF):
            start_gather(b, b)

        @pl.loop(0, num_chunks, step=NBUF)
        def _(c0):
            for b in range(NBUF):
                c = c0 + b
                pltpu.make_async_copy(
                    table_hbm.at[idx_v.at[pl.ds(0, CHUNK)]],
                    rows_v.at[b],
                    gsem.at[b],
                ).wait()
                store = pltpu.async_copy(
                    rows_v.at[b], out_hbm.at[pl.ds(base + c * CHUNK, CHUNK)], ssem.at[b]
                )
                store.wait()

                @pl.when(c + NBUF < num_chunks)
                def _():
                    start_gather(c + NBUF, b)

    return gather_kernel(table2, idx_pair)


def _select_transpose(g2, x_t):

    def body(g_ref, x_ref, out_ref):
        for k in range(SELS):
            gt = g_ref[pl.ds(k * BATCH, BATCH), :].T
            par = (x_ref[k] >> TR_SHIFT) & 1
            out_ref[k] = jnp.where(par == 1, gt[DIM:, :], gt[:DIM, :])

    x_t3 = x_t.reshape(SEQ, 1, BATCH)
    return pl.pallas_call(
        body,
        grid=(SEQ // SELS,),
        in_specs=[
            pl.BlockSpec((SELS * BATCH, 2 * DIM), lambda s: (s, 0)),
            pl.BlockSpec((SELS, 1, BATCH), lambda s: (s, 0, 0)),
        ],
        out_specs=pl.BlockSpec((SELS, DIM, BATCH), lambda s: (s, 0, 0)),
        out_shape=jax.ShapeDtypeStruct((SEQ, DIM, BATCH), g2.dtype),
        compiler_params=pltpu.CompilerParams(
            dimension_semantics=("arbitrary",),
        ),
    )(g2, x_t3)


def kernel(x, embeddings):
    table2 = _pair_transpose(embeddings.T)
    x_t = x.T
    idx = x_t.reshape(-1)
    idx_pair = ((idx >> (TR_SHIFT + 1)) << TR_SHIFT) | (idx & (TR - 1))
    g2 = _sc_gather(table2, idx_pair)
    out_t = _select_transpose(g2, x_t)
    return jnp.transpose(out_t, (2, 0, 1))

# --- scband reference (transcript-rebuilt; emitter-appended) ---
"""Pipeline reference for scband-embedding-3238405341294 (READ-ONLY COPY).

The authoritative reference and input builder live on the scoring server;
editing this copy changes nothing except your own understanding.
"""

import jax, jax.numpy as jnp
import numpy as np

NUM_EMBEDDINGS = 1000000
EMBEDDING_DIM = 64

def setup_inputs(seed: int = 0) -> dict:
    key = jax.random.key(seed)
    k1, k2 = jax.random.split(key)
    x = jax.random.randint(k1, (4096, 50), 0, NUM_EMBEDDINGS, dtype=jnp.int64 if jax.config.jax_enable_x64 else jnp.int32)
    # trunc_normal_(mean=0, std=1, a=-3, b=3)
    embeddings = jax.random.truncated_normal(k2, -3.0, 3.0, (NUM_EMBEDDINGS, EMBEDDING_DIM), dtype=jnp.float32)
    return {"x": x, "embeddings": embeddings}

def reference(x, embeddings):
    # Faithful translation of: return self.embeddings[x]
    return jnp.take(embeddings, x, axis=0)

if __name__ == "__main__":
    import jax
    _d = setup_inputs()
    print(jax.jit(kernel)(*tuple(_d.values())))

</pallas_src>

<mosaic_0001>
#map = affine_map<(d0, d1) -> (0, 0)>
#map1 = affine_map<(d0, d1) -> (0)>
module attributes {stable_mosaic.version = 14 : i64} {
  func.func @gather_kernel(%arg0: i32, %arg1: i32, %arg2: memref<507904x128xf32, #tpu.memory_space<hbm>>, %arg3: memref<204800xi32, #tpu.memory_space<hbm>>, %arg4: memref<204800x128xf32, #tpu.memory_space<hbm>>, %arg5: memref<6400xi32, #tpu.memory_space<vmem>>, %arg6: memref<10x64x128xf32, #tpu.memory_space<vmem>>, %arg7: memref<10x!tpu.dma_semaphore, #tpu.memory_space<semaphore_mem>>, %arg8: memref<10x!tpu.dma_semaphore, #tpu.memory_space<semaphore_mem>>) attributes {dimension_semantics = [#tpu.dimension_semantics<core_parallel>, #tpu.dimension_semantics<subcore_parallel>], iteration_bounds = array<i64: 2, 16>, scalar_prefetch = 0 : i64, scratch_operands = 4 : i64, tpu.core_type = #tpu.core_type<sc_vector_subcore>, window_params = [{transform_indices = #map}, {transform_indices = #map1}, {transform_indices = #map}]} {
    %mul3A = arith.constant 2 : i32
    %mul3A_0 = arith.muli %arg1, %mul3A : i32
    %add3A = arith.addi %mul3A_0, %arg0 : i32
    %mul3A_1 = arith.constant 6400 : i32
    %mul3A_2 = arith.muli %add3A, %mul3A_1 : i32
    "tpu.region"() ({
      %run_scoped3A = tpu.sem_alloc : memref<!tpu.dma_semaphore, #tpu.memory_space<semaphore_mem>>
      %dma_start3A_136 = tpu.memref_slice %arg3[%mul3A_2] : memref<204800xi32, #tpu.memory_space<hbm>> -> memref<6400xi32, #tpu.memory_space<hbm>>
      %dma_start3A_137 = tpu.memref_slice %arg3[%mul3A_2] : memref<204800xi32, #tpu.memory_space<hbm>> -> memref<6400xi32, #tpu.memory_space<hbm>>
      tpu.enqueue_dma source(%dma_start3A_137 : memref<6400xi32, #tpu.memory_space<hbm>>) target(%arg5 : memref<6400xi32, #tpu.memory_space<vmem>>) target_semaphore(%run_scoped3A : memref<!tpu.dma_semaphore, #tpu.memory_space<semaphore_mem>>)
      %dma_wait3A = tpu.memref_slice %arg3[%mul3A_2] : memref<204800xi32, #tpu.memory_space<hbm>> -> memref<6400xi32, #tpu.memory_space<hbm>>
      %dma_wait3A_138 = tpu.memref_slice %arg3[%mul3A_2] : memref<204800xi32, #tpu.memory_space<hbm>> -> memref<6400xi32, #tpu.memory_space<hbm>>
      tpu.wait_dma2 semaphore(%run_scoped3A : memref<!tpu.dma_semaphore, #tpu.memory_space<semaphore_mem>>) src(%dma_wait3A_138 : memref<6400xi32, #tpu.memory_space<hbm>>) dst(%arg5 : memref<6400xi32, #tpu.memory_space<vmem>>)
      tpu.yield
    }) : () -> ()
    %dma_start3A = arith.constant 0 : i32
    %dma_start3A_3 = arith.constant 0 : i32
    %dma_start3A_4 = arith.constant 0 : i32
    %dma_start3A_5 = arith.constant 0 : i32
    %dma_start3A_6 = tpu.memref_slice %arg6[%dma_start3A, %dma_start3A_4, %dma_start3A_5] : memref<10x64x128xf32, #tpu.memory_space<vmem>> -> memref<1x64x128xf32, #tpu.memory_space<vmem>>
    %dma_start3A_7 = tpu.memref_squeeze %dma_start3A_6 : memref<1x64x128xf32, #tpu.memory_space<vmem>> -> memref<64x128xf32, #tpu.memory_space<vmem>>
    %dma_start3A_8 = arith.constant 0 : i32
    %dma_start3A_9 = tpu.memref_slice %arg5[%dma_start3A_8] : memref<6400xi32, #tpu.memory_space<vmem>> -> memref<64xi32, #tpu.memory_space<vmem>>
    %dma_start3A_10 = arith.constant 0 : i32
    %dma_start3A_11 = arith.constant 0 : i32
    %dma_start3A_12 = tpu.memref_slice %arg2[%dma_start3A_10, %dma_start3A_11] : memref<507904x128xf32, #tpu.memory_space<hbm>> -> memref<507904x128xf32, #tpu.memory_space<hbm>>
    %dma_start3A_13 = tpu.memref_slice %arg7[%dma_start3A_3] : memref<10x!tpu.dma_semaphore, #tpu.memory_space<semaphore_mem>> -> memref<1x!tpu.dma_semaphore, #tpu.memory_space<semaphore_mem>>
    %dma_start3A_14 = tpu.memref_squeeze %dma_start3A_13 : memref<1x!tpu.dma_semaphore, #tpu.memory_space<semaphore_mem>> -> memref<!tpu.dma_semaphore, #tpu.memory_space<semaphore_mem>>
    tpu.enqueue_indirect_dma source(%dma_start3A_12 : memref<507904x128xf32, #tpu.memory_space<hbm>>) target(%dma_start3A_7 : memref<64x128xf32, #tpu.memory_space<vmem>>) offsets(%dma_start3A_9 : memref<64xi32, #tpu.memory_space<vmem>>) semaphore(%dma_start3A_14 : memref<!tpu.dma_semaphore, #tpu.memory_space<semaphore_mem>>)
    %dma_start3A_15 = arith.constant 1 : i32
    %dma_start3A_16 = arith.constant 1 : i32
    %dma_start3A_17 = arith.constant 0 : i32
    %dma_start3A_18 = arith.constant 0 : i32
    %dma_start3A_19 = tpu.memref_slice %arg6[%dma_start3A_15, %dma_start3A_17, %dma_start3A_18] : memref<10x64x128xf32, #tpu.memory_space<vmem>> -> memref<1x64x128xf32, #tpu.memory_space<vmem>>
    %dma_start3A_20 = tpu.memref_squeeze %dma_start3A_19 : memref<1x64x128xf32, #tpu.memory_space<vmem>> -> memref<64x128xf32, #tpu.memory_space<vmem>>
    %dma_start3A_21 = arith.constant 64 : i32
    %dma_start3A_22 = tpu.memref_slice %arg5[%dma_start3A_21] : memref<6400xi32, #tpu.memory_space<vmem>> -> memref<64xi32, #tpu.memory_space<vmem>>
    %dma_start3A_23 = arith.constant 0 : i32
    %dma_start3A_24 = arith.constant 0 : i32
    %dma_start3A_25 = tpu.memref_slice %arg2[%dma_start3A_23, %dma_start3A_24] : memref<507904x128xf32, #tpu.memory_space<hbm>> -> memref<507904x128xf32, #tpu.memory_space<hbm>>
    %dma_start3A_26 = tpu.memref_slice %arg7[%dma_start3A_16] : memref<10x!tpu.dma_semaphore, #tpu.memory_space<semaphore_mem>> -> memref<1x!tpu.dma_semaphore, #tpu.memory_space<semaphore_mem>>
    %dma_start3A_27 = tpu.memref_squeeze %dma_start3A_26 : memref<1x!tpu.dma_semaphore, #tpu.memory_space<semaphore_mem>> -> memref<!tpu.dma_semaphore, #tpu.memory_space<semaphore_mem>>
    tpu.enqueue_indirect_dma source(%dma_start3A_25 : memref<507904x128xf32, #tpu.memory_space<hbm>>) target(%dma_start3A_20 : memref<64x128xf32, #tpu.memory_space<vmem>>) offsets(%dma_start3A_22 : memref<64xi32, #tpu.memory_space<vmem>>) semaphore(%dma_start3A_27 : memref<!tpu.dma_semaphore, #tpu.memory_space<semaphore_mem>>)
    %dma_start3A_28 = arith.constant 2 : i32
    %dma_start3A_29 = arith.constant 2 : i32
    %dma_start3A_30 = arith.constant 0 : i32
    %dma_start3A_31 = arith.constant 0 : i32
    %dma_start3A_32 = tpu.memref_slice %arg6[%dma_start3A_28, %dma_start3A_30, %dma_start3A_31] : memref<10x64x128xf32, #tpu.memory_space<vmem>> -> memref<1x64x128xf32, #tpu.memory_space<vmem>>
    %dma_start3A_33 = tpu.memref_squeeze %dma_start3A_32 : memref<1x64x128xf32, #tpu.memory_space<vmem>> -> memref<64x128xf32, #tpu.memory_space<vmem>>
    %dma_start3A_34 = arith.constant 128 : i32
    %dma_start3A_35 = tpu.memref_slice %arg5[%dma_start3A_34] : memref<6400xi32, #tpu.memory_space<vmem>> -> memref<64xi32, #tpu.memory_space<vmem>>
    %dma_start3A_36 = arith.constant 0 : i32
    %dma_start3A_37 = arith.constant 0 : i32
    %dma_start3A_38 = tpu.memref_slice %arg2[%dma_start3A_36, %dma_start3A_37] : memref<507904x128xf32, #tpu.memory_space<hbm>> -> memref<507904x128xf32, #tpu.memory_space<hbm>>
    %dma_start3A_39 = tpu.memref_slice %arg7[%dma_start3A_29] : memref<10x!tpu.dma_semaphore, #tpu.memory_space<semaphore_mem>> -> memref<1x!tpu.dma_semaphore, #tpu.memory_space<semaphore_mem>>
    %dma_start3A_40 = tpu.memref_squeeze %dma_start3A_39 : memref<1x!tpu.dma_semaphore, #tpu.memory_space<semaphore_mem>> -> memref<!tpu.dma_semaphore, #tpu.memory_space<semaphore_mem>>
    tpu.enqueue_indirect_dma source(%dma_start3A_38 : memref<507904x128xf32, #tpu.memory_space<hbm>>) target(%dma_start3A_33 : memref<64x128xf32, #tpu.memory_space<vmem>>) offsets(%dma_start3A_35 : memref<64xi32, #tpu.memory_space<vmem>>) semaphore(%dma_start3A_40 : memref<!tpu.dma_semaphore, #tpu.memory_space<semaphore_mem>>)
    %dma_start3A_41 = arith.constant 3 : i32
    %dma_start3A_42 = arith.constant 3 : i32
    %dma_start3A_43 = arith.constant 0 : i32
    %dma_start3A_44 = arith.constant 0 : i32
    %dma_start3A_45 = tpu.memref_slice %arg6[%dma_start3A_41, %dma_start3A_43, %dma_start3A_44] : memref<10x64x128xf32, #tpu.memory_space<vmem>> -> memref<1x64x128xf32, #tpu.memory_space<vmem>>
    %dma_start3A_46 = tpu.memref_squeeze %dma_start3A_45 : memref<1x64x128xf32, #tpu.memory_space<vmem>> -> memref<64x128xf32, #tpu.memory_space<vmem>>
    %dma_start3A_47 = arith.constant 192 : i32
    %dma_start3A_48 = tpu.memref_slice %arg5[%dma_start3A_47] : memref<6400xi32, #tpu.memory_space<vmem>> -> memref<64xi32, #tpu.memory_space<vmem>>
    %dma_start3A_49 = arith.constant 0 : i32
    %dma_start3A_50 = arith.constant 0 : i32
    %dma_start3A_51 = tpu.memref_slice %arg2[%dma_start3A_49, %dma_start3A_50] : memref<507904x128xf32, #tpu.memory_space<hbm>> -> memref<507904x128xf32, #tpu.memory_space<hbm>>
    %dma_start3A_52 = tpu.memref_slice %arg7[%dma_start3A_42] : memref<10x!tpu.dma_semaphore, #tpu.memory_space<semaphore_mem>> -> memref<1x!tpu.dma_semaphore, #tpu.memory_space<semaphore_mem>>
    %dma_start3A_53 = tpu.memref_squeeze %dma_start3A_52 : memref<1x!tpu.dma_semaphore, #tpu.memory_space<semaphore_mem>> -> memref<!tpu.dma_semaphore, #tpu.memory_space<semaphore_mem>>
    tpu.enqueue_indirect_dma source(%dma_start3A_51 : memref<507904x128xf32, #tpu.memory_space<hbm>>) target(%dma_start3A_46 : memref<64x128xf32, #tpu.memory_space<vmem>>) offsets(%dma_start3A_48 : memref<64xi32, #tpu.memory_space<vmem>>) semaphore(%dma_start3A_53 : memref<!tpu.dma_semaphore, #tpu.memory_space<semaphore_mem>>)
    %dma_start3A_54 = arith.constant 4 : i32
    %dma_start3A_55 = arith.constant 4 : i32
    %dma_start3A_56 = arith.constant 0 : i32
    %dma_start3A_57 = arith.constant 0 : i32
    %dma_start3A_58 = tpu.memref_slice %arg6[%dma_start3A_54, %dma_start3A_56, %dma_start3A_57] : memref<10x64x128xf32, #tpu.memory_space<vmem>> -> memref<1x64x128xf32, #tpu.memory_space<vmem>>
    %dma_start3A_59 = tpu.memref_squeeze %dma_start3A_58 : memref<1x64x128xf32, #tpu.memory_space<vmem>> -> memref<64x128xf32, #tpu.memory_space<vmem>>
    %dma_start3A_60 = arith.constant 256 : i32
    %dma_start3A_61 = tpu.memref_slice %arg5[%dma_start3A_60] : memref<6400xi32, #tpu.memory_space<vmem>> -> memref<64xi32, #tpu.memory_space<vmem>>
    %dma_start3A_62 = arith.constant 0 : i32
    %dma_start3A_63 = arith.constant 0 : i32
    %dma_start3A_64 = tpu.memref_slice %arg2[%dma_start3A_62, %dma_start3A_63] : memref<507904x128xf32, #tpu.memory_space<hbm>> -> memref<507904x128xf32, #tpu.memory_space<hbm>>
    %dma_start3A_65 = tpu.memref_slice %arg7[%dma_start3A_55] : memref<10x!tpu.dma_semaphore, #tpu.memory_space<semaphore_mem>> -> memref<1x!tpu.dma_semaphore, #tpu.memory_space<semaphore_mem>>
    %dma_start3A_66 = tpu.memref_squeeze %dma_start3A_65 : memref<1x!tpu.dma_semaphore, #tpu.memory_space<semaphore_mem>> -> memref<!tpu.dma_semaphore, #tpu.memory_space<semaphore_mem>>
    tpu.enqueue_indirect_dma source(%dma_start3A_64 : memref<507904x128xf32, #tpu.memory_space<hbm>>) target(%dma_start3A_59 : memref<64x128xf32, #tpu.memory_space<vmem>>) offsets(%dma_start3A_61 : memref<64xi32, #tpu.memory_space<vmem>>) semaphore(%dma_start3A_66 : memref<!tpu.dma_semaphore, #tpu.memory_space<semaphore_mem>>)
    %dma_start3A_67 = arith.constant 5 : i32
    %dma_start3A_68 = arith.constant 5 : i32
    %dma_start3A_69 = arith.constant 0 : i32
    %dma_start3A_70 = arith.constant 0 : i32
    %dma_start3A_71 = tpu.memref_slice %arg6[%dma_start3A_67, %dma_start3A_69, %dma_start3A_70] : memref<10x64x128xf32, #tpu.memory_space<vmem>> -> memref<1x64x128xf32, #tpu.memory_space<vmem>>
    %dma_start3A_72 = tpu.memref_squeeze %dma_start3A_71 : memref<1x64x128xf32, #tpu.memory_space<vmem>> -> memref<64x128xf32, #tpu.memory_space<vmem>>
    %dma_start3A_73 = arith.constant 320 : i32
    %dma_start3A_74 = tpu.memref_slice %arg5[%dma_start3A_73] : memref<6400xi32, #tpu.memory_space<vmem>> -> memref<64xi32, #tpu.memory_space<vmem>>
    %dma_start3A_75 = arith.constant 0 : i32
    %dma_start3A_76 = arith.constant 0 : i32
    %dma_start3A_77 = tpu.memref_slice %arg2[%dma_start3A_75, %dma_start3A_76] : memref<507904x128xf32, #tpu.memory_space<hbm>> -> memref<507904x128xf32, #tpu.memory_space<hbm>>
    %dma_start3A_78 = tpu.memref_slice %arg7[%dma_start3A_68] : memref<10x!tpu.dma_semaphore, #tpu.memory_space<semaphore_mem>> -> memref<1x!tpu.dma_semaphore, #tpu.memory_space<semaphore_mem>>
    %dma_start3A_79 = tpu.memref_squeeze %dma_start3A_78 : memref<1x!tpu.dma_semaphore, #tpu.memory_space<semaphore_mem>> -> memref<!tpu.dma_semaphore, #tpu.memory_space<semaphore_mem>>
    tpu.enqueue_indirect_dma source(%dma_start3A_77 : memref<507904x128xf32, #tpu.memory_space<hbm>>) target(%dma_start3A_72 : memref<64x128xf32, #tpu.memory_space<vmem>>) offsets(%dma_start3A_74 : memref<64xi32, #tpu.memory_space<vmem>>) semaphore(%dma_start3A_79 : memref<!tpu.dma_semaphore, #tpu.memory_space<semaphore_mem>>)
    %dma_start3A_80 = arith.constant 6 : i32
    %dma_start3A_81 = arith.constant 6 : i32
    %dma_start3A_82 = arith.constant 0 : i32
    %dma_start3A_83 = arith.constant 0 : i32
    %dma_start3A_84 = tpu.memref_slice %arg6[%dma_start3A_80, %dma_start3A_82, %dma_start3A_83] : memref<10x64x128xf32, #tpu.memory_space<vmem>> -> memref<1x64x128xf32, #tpu.memory_space<vmem>>
    %dma_start3A_85 = tpu.memref_squeeze %dma_start3A_84 : memref<1x64x128xf32, #tpu.memory_space<vmem>> -> memref<64x128xf32, #tpu.memory_space<vmem>>
    %dma_start3A_86 = arith.constant 384 : i32
    %dma_start3A_87 = tpu.memref_slice %arg5[%dma_start3A_86] : memref<6400xi32, #tpu.memory_space<vmem>> -> memref<64xi32, #tpu.memory_space<vmem>>
    %dma_start3A_88 = arith.constant 0 : i32
    %dma_start3A_89 = arith.constant 0 : i32
    %dma_start3A_90 = tpu.memref_slice %arg2[%dma_start3A_88, %dma_start3A_89] : memref<507904x128xf32, #tpu.memory_space<hbm>> -> memref<507904x128xf32, #tpu.memory_space<hbm>>
    %dma_start3A_91 = tpu.memref_slice %arg7[%dma_start3A_81] : memref<10x!tpu.dma_semaphore, #tpu.memory_space<semaphore_mem>> -> memref<1x!tpu.dma_semaphore, #tpu.memory_space<semaphore_mem>>
    %dma_start3A_92 = tpu.memref_squeeze %dma_start3A_91 : memref<1x!tpu.dma_semaphore, #tpu.memory_space<semaphore_mem>> -> memref<!tpu.dma_semaphore, #tpu.memory_space<semaphore_mem>>
    tpu.enqueue_indirect_dma source(%dma_start3A_90 : memref<507904x128xf32, #tpu.memory_space<hbm>>) target(%dma_start3A_85 : memref<64x128xf32, #tpu.memory_space<vmem>>) offsets(%dma_start3A_87 : memref<64xi32, #tpu.memory_space<vmem>>) semaphore(%dma_start3A_92 : memref<!tpu.dma_semaphore, #tpu.memory_space<semaphore_mem>>)
    %dma_start3A_93 = arith.constant 7 : i32
    %dma_start3A_94 = arith.constant 7 : i32
    %dma_start3A_95 = arith.constant 0 : i32
    %dma_start3A_96 = arith.constant 0 : i32
    %dma_start3A_97 = tpu.memref_slice %arg6[%dma_start3A_93, %dma_start3A_95, %dma_start3A_96] : memref<10x64x128xf32, #tpu.memory_space<vmem>> -> memref<1x64x128xf32, #tpu.memory_space<vmem>>
    %dma_start3A_98 = tpu.memref_squeeze %dma_start3A_97 : memref<1x64x128xf32, #tpu.memory_space<vmem>> -> memref<64x128xf32, #tpu.memory_space<vmem>>
    %dma_start3A_99 = arith.constant 448 : i32
    %dma_start3A_100 = tpu.memref_slice %arg5[%dma_start3A_99] : memref<6400xi32, #tpu.memory_space<vmem>> -> memref<64xi32, #tpu.memory_space<vmem>>
    %dma_start3A_101 = arith.constant 0 : i32
    %dma_start3A_102 = arith.constant 0 : i32
    %dma_start3A_103 = tpu.memref_slice %arg2[%dma_start3A_101, %dma_start3A_102] : memref<507904x128xf32, #tpu.memory_space<hbm>> -> memref<507904x128xf32, #tpu.memory_space<hbm>>
    %dma_start3A_104 = tpu.memref_slice %arg7[%dma_start3A_94] : memref<10x!tpu.dma_semaphore, #tpu.memory_space<semaphore_mem>> -> memref<1x!tpu.dma_semaphore, #tpu.memory_space<semaphore_mem>>
    %dma_start3A_105 = tpu.memref_squeeze %dma_start3A_104 : memref<1x!tpu.dma_semaphore, #tpu.memory_space<semaphore_mem>> -> memref<!tpu.dma_semaphore, #tpu.memory_space<semaphore_mem>>
    tpu.enqueue_indirect_dma source(%dma_start3A_103 : memref<507904x128xf32, #tpu.memory_space<hbm>>) target(%dma_start3A_98 : memref<64x128xf32, #tpu.memory_space<vmem>>) offsets(%dma_start3A_100 : memref<64xi32, #tpu.memory_space<vmem>>) semaphore(%dma_start3A_105 : memref<!tpu.dma_semaphore, #tpu.memory_space<semaphore_mem>>)
    %dma_start3A_106 = arith.constant 8 : i32
    %dma_start3A_107 = arith.constant 8 : i32
    %dma_start3A_108 = arith.constant 0 : i32
    %dma_start3A_109 = arith.constant 0 : i32
    %dma_start3A_110 = tpu.memref_slice %arg6[%dma_start3A_106, %dma_start3A_108, %dma_start3A_109] : memref<10x64x128xf32, #tpu.memory_space<vmem>> -> memref<1x64x128xf32, #tpu.memory_space<vmem>>
    %dma_start3A_111 = tpu.memref_squeeze %dma_start3A_110 : memref<1x64x128xf32, #tpu.memory_space<vmem>> -> memref<64x128xf32, #tpu.memory_space<vmem>>
    %dma_start3A_112 = arith.constant 512 : i32
    %dma_start3A_113 = tpu.memref_slice %arg5[%dma_start3A_112] : memref<6400xi32, #tpu.memory_space<vmem>> -> memref<64xi32, #tpu.memory_space<vmem>>
    %dma_start3A_114 = arith.constant 0 : i32
    %dma_start3A_115 = arith.constant 0 : i32
    %dma_start3A_116 = tpu.memref_slice %arg2[%dma_start3A_114, %dma_start3A_115] : memref<507904x128xf32, #tpu.memory_space<hbm>> -> memref<507904x128xf32, #tpu.memory_space<hbm>>
    %dma_start3A_117 = tpu.memref_slice %arg7[%dma_start3A_107] : memref<10x!tpu.dma_semaphore, #tpu.memory_space<semaphore_mem>> -> memref<1x!tpu.dma_semaphore, #tpu.memory_space<semaphore_mem>>
    %dma_start3A_118 = tpu.memref_squeeze %dma_start3A_117 : memref<1x!tpu.dma_semaphore, #tpu.memory_space<semaphore_mem>> -> memref<!tpu.dma_semaphore, #tpu.memory_space<semaphore_mem>>
    tpu.enqueue_indirect_dma source(%dma_start3A_116 : memref<507904x128xf32, #tpu.memory_space<hbm>>) target(%dma_start3A_111 : memref<64x128xf32, #tpu.memory_space<vmem>>) offsets(%dma_start3A_113 : memref<64xi32, #tpu.memory_space<vmem>>) semaphore(%dma_start3A_118 : memref<!tpu.dma_semaphore, #tpu.memory_space<semaphore_mem>>)
    %dma_start3A_119 = arith.constant 9 : i32
    %dma_start3A_120 = arith.constant 9 : i32
    %dma_start3A_121 = arith.constant 0 : i32
    %dma_start3A_122 = arith.constant 0 : i32
    %dma_start3A_123 = tpu.memref_slice %arg6[%dma_start3A_119, %dma_start3A_121, %dma_start3A_122] : memref<10x64x128xf32, #tpu.memory_space<vmem>> -> memref<1x64x128xf32, #tpu.memory_space<vmem>>
    %dma_start3A_124 = tpu.memref_squeeze %dma_start3A_123 : memref<1x64x128xf32, #tpu.memory_space<vmem>> -> memref<64x128xf32, #tpu.memory_space<vmem>>
    %dma_start3A_125 = arith.constant 576 : i32
    %dma_start3A_126 = tpu.memref_slice %arg5[%dma_start3A_125] : memref<6400xi32, #tpu.memory_space<vmem>> -> memref<64xi32, #tpu.memory_space<vmem>>
    %dma_start3A_127 = arith.constant 0 : i32
    %dma_start3A_128 = arith.constant 0 : i32
    %dma_start3A_129 = tpu.memref_slice %arg2[%dma_start3A_127, %dma_start3A_128] : memref<507904x128xf32, #tpu.memory_space<hbm>> -> memref<507904x128xf32, #tpu.memory_space<hbm>>
    %dma_start3A_130 = tpu.memref_slice %arg7[%dma_start3A_120] : memref<10x!tpu.dma_semaphore, #tpu.memory_space<semaphore_mem>> -> memref<1x!tpu.dma_semaphore, #tpu.memory_space<semaphore_mem>>
    %dma_start3A_131 = tpu.memref_squeeze %dma_start3A_130 : memref<1x!tpu.dma_semaphore, #tpu.memory_space<semaphore_mem>> -> memref<!tpu.dma_semaphore, #tpu.memory_space<semaphore_mem>>
    tpu.enqueue_indirect_dma source(%dma_start3A_129 : memref<507904x128xf32, #tpu.memory_space<hbm>>) target(%dma_start3A_124 : memref<64x128xf32, #tpu.memory_space<vmem>>) offsets(%dma_start3A_126 : memref<64xi32, #tpu.memory_space<vmem>>) semaphore(%dma_start3A_131 : memref<!tpu.dma_semaphore, #tpu.memory_space<semaphore_mem>>)
    %scan3A = arith.constant 0 : i32
    %scan3A_132 = arith.constant 10 : i32
    %scan3A_133 = arith.addi %scan3A, %scan3A_132 : i32
    %scan3A_134 = arith.constant 1 : i32
    scf.for %scan3A_136 = %scan3A to %scan3A_133 step %scan3A_134  : i32 {
      %mul3A_137 = arith.constant 10 : i32
      %mul3A_138 = arith.muli %scan3A_136, %mul3A_137 : i32
      %add3A_139 = arith.constant 0 : i32
      %add3A_140 = arith.addi %add3A_139, %mul3A_138 : i32
      %add3A_141 = arith.constant 0 : i32
      %add3A_142 = arith.addi %add3A_140, %add3A_141 : i32
      %dma_wait3A = arith.constant 0 : i32
      %dma_wait3A_143 = arith.constant 0 : i32
      %dma_wait3A_144 = arith.constant 0 : i32
      %dma_wait3A_145 = arith.constant 0 : i32
      %dma_wait3A_146 = tpu.memref_slice %arg6[%dma_wait3A, %dma_wait3A_144, %dma_wait3A_145] : memref<10x64x128xf32, #tpu.memory_space<vmem>> -> memref<1x64x128xf32, #tpu.memory_space<vmem>>
      %dma_wait3A_147 = tpu.memref_squeeze %dma_wait3A_146 : memref<1x64x128xf32, #tpu.memory_space<vmem>> -> memref<64x128xf32, #tpu.memory_space<vmem>>
      %dma_wait3A_148 = arith.constant 0 : i32
      %dma_wait3A_149 = tpu.memref_slice %arg5[%dma_wait3A_148] : memref<6400xi32, #tpu.memory_space<vmem>> -> memref<64xi32, #tpu.memory_space<vmem>>
      %dma_wait3A_150 = arith.constant 0 : i32
      %dma_wait3A_151 = arith.constant 0 : i32
      %dma_wait3A_152 = tpu.memref_slice %arg2[%dma_wait3A_150, %dma_wait3A_151] : memref<507904x128xf32, #tpu.memory_space<hbm>> -> memref<507904x128xf32, #tpu.memory_space<hbm>>
      %dma_wait3A_153 = tpu.memref_slice %arg7[%dma_wait3A_143] : memref<10x!tpu.dma_semaphore, #tpu.memory_space<semaphore_mem>> -> memref<1x!tpu.dma_semaphore, #tpu.memory_space<semaphore_mem>>
      %dma_wait3A_154 = tpu.memref_squeeze %dma_wait3A_153 : memref<1x!tpu.dma_semaphore, #tpu.memory_space<semaphore_mem>> -> memref<!tpu.dma_semaphore, #tpu.memory_space<semaphore_mem>>
      tpu.wait_indirect_dma semaphore(%dma_wait3A_154 : memref<!tpu.dma_semaphore, #tpu.memory_space<semaphore_mem>>) src(%dma_wait3A_152 : memref<507904x128xf32, #tpu.memory_space<hbm>>) dst(%dma_wait3A_147 : memref<64x128xf32, #tpu.memory_space<vmem>>)
      %mul3A_155 = arith.constant 64 : i32
      %mul3A_156 = arith.muli %add3A_142, %mul3A_155 : i32
      %add3A_157 = arith.addi %mul3A_2, %mul3A_156 : i32
      %dma_start3A_158 = arith.constant 0 : i32
      %dma_start3A_159 = arith.constant 0 : i32
      %dma_start3A_160 = arith.constant 0 : i32
      %dma_start3A_161 = arith.constant 0 : i32
      %dma_start3A_162 = tpu.memref_slice %arg6[%dma_start3A_158, %dma_start3A_160, %dma_start3A_161] : memref<10x64x128xf32, #tpu.memory_space<vmem>> -> memref<1x64x128xf32, #tpu.memory_space<vmem>>
      %dma_start3A_163 = tpu.memref_squeeze %dma_start3A_162 : memref<1x64x128xf32, #tpu.memory_space<vmem>> -> memref<64x128xf32, #tpu.memory_space<vmem>>
      %dma_start3A_164 = arith.constant 0 : i32
      %dma_start3A_165 = tpu.memref_slice %arg4[%add3A_157, %dma_start3A_164] : memref<204800x128xf32, #tpu.memory_space<hbm>> -> memref<64x128xf32, #tpu.memory_space<hbm>>
      %dma_start3A_166 = tpu.memref_slice %arg8[%dma_start3A_159] : memref<10x!tpu.dma_semaphore, #tpu.memory_space<semaphore_mem>> -> memref<1x!tpu.dma_semaphore, #tpu.memory_space<semaphore_mem>>
      %dma_start3A_167 = tpu.memref_squeeze %dma_start3A_166 : memref<1x!tpu.dma_semaphore, #tpu.memory_space<semaphore_mem>> -> memref<!tpu.dma_semaphore, #tpu.memory_space<semaphore_mem>>
      %dma_start3A_168 = arith.constant 0 : i32
      %dma_start3A_169 = tpu.memref_slice %arg4[%add3A_157, %dma_start3A_168] : memref<204800x128xf32, #tpu.memory_space<hbm>> -> memref<64x128xf32, #tpu.memory_space<hbm>>
      %dma_start3A_170 = arith.constant 0 : i32
      %dma_start3A_171 = arith.constant 0 : i32
      %dma_start3A_172 = tpu.memref_slice %arg6[%dma_start3A_158, %dma_start3A_170, %dma_start3A_171] : memref<10x64x128xf32, #tpu.memory_space<vmem>> -> memref<1x64x128xf32, #tpu.memory_space<vmem>>
      %dma_start3A_173 = tpu.memref_squeeze %dma_start3A_172 : memref<1x64x128xf32, #tpu.memory_space<vmem>> -> memref<64x128xf32, #tpu.memory_space<vmem>>
      tpu.enqueue_dma source(%dma_start3A_173 : memref<64x128xf32, #tpu.memory_space<vmem>>) target(%dma_start3A_169 : memref<64x128xf32, #tpu.memory_space<hbm>>) target_semaphore(%dma_start3A_167 : memref<!tpu.dma_semaphore, #tpu.memory_space<semaphore_mem>>)
      %dma_wait3A_174 = arith.constant 0 : i32
      %dma_wait3A_175 = arith.constant 0 : i32
      %dma_wait3A_176 = arith.constant 0 : i32
      %dma_wait3A_177 = arith.constant 0 : i32
      %dma_wait3A_178 = tpu.memref_slice %arg6[%dma_wait3A_174, %dma_wait3A_176, %dma_wait3A_177] : memref<10x64x128xf32, #tpu.memory_space<vmem>> -> memref<1x64x128xf32, #tpu.memory_space<vmem>>
      %dma_wait3A_179 = tpu.memref_squeeze %dma_wait3A_178 : memref<1x64x128xf32, #tpu.memory_space<vmem>> -> memref<64x128xf32, #tpu.memory_space<vmem>>
      %dma_wait3A_180 = arith.constant 0 : i32
      %dma_wait3A_181 = tpu.memref_slice %arg4[%add3A_157, %dma_wait3A_180] : memref<204800x128xf32, #tpu.memory_space<hbm>> -> memref<64x128xf32, #tpu.memory_space<hbm>>
      %dma_wait3A_182 = tpu.memref_slice %arg8[%dma_wait3A_175] : memref<10x!tpu.dma_semaphore, #tpu.memory_space<semaphore_mem>> -> memref<1x!tpu.dma_semaphore, #tpu.memory_space<semaphore_mem>>
      %dma_wait3A_183 = tpu.memref_squeeze %dma_wait3A_182 : memref<1x!tpu.dma_semaphore, #tpu.memory_space<semaphore_mem>> -> memref<!tpu.dma_semaphore, #tpu.memory_space<semaphore_mem>>
      %dma_wait3A_184 = arith.constant 0 : i32
      %dma_wait3A_185 = tpu.memref_slice %arg4[%add3A_157, %dma_wait3A_184] : memref<204800x128xf32, #tpu.memory_space<hbm>> -> memref<64x128xf32, #tpu.memory_space<hbm>>
      %dma_wait3A_186 = arith.constant 0 : i32
      %dma_wait3A_187 = arith.constant 0 : i32
      %dma_wait3A_188 = tpu.memref_slice %arg6[%dma_wait3A_174, %dma_wait3A_186, %dma_wait3A_187] : memref<10x64x128xf32, #tpu.memory_space<vmem>> -> memref<1x64x128xf32, #tpu.memory_space<vmem>>
      %dma_wait3A_189 = tpu.memref_squeeze %dma_wait3A_188 : memref<1x64x128xf32, #tpu.memory_space<vmem>> -> memref<64x128xf32, #tpu.memory_space<vmem>>
      tpu.wait_dma2 semaphore(%dma_wait3A_183 : memref<!tpu.dma_semaphore, #tpu.memory_space<semaphore_mem>>) src(%dma_wait3A_189 : memref<64x128xf32, #tpu.memory_space<vmem>>) dst(%dma_wait3A_185 : memref<64x128xf32, #tpu.memory_space<hbm>>)
      %add3A_190 = arith.constant 10 : i32
      %add3A_191 = arith.addi %add3A_142, %add3A_190 : i32
      %lt3A = arith.constant 100 : i32
      %lt3A_192 = arith.cmpi slt, %add3A_191, %lt3A : i32
      %convert_element_type3A = arith.extui %lt3A_192 : i1 to i32
      %cond3A = arith.constant 0 : i32
      %cond3A_193 = arith.cmpi ne, %convert_element_type3A, %cond3A : i32
      scf.if %cond3A_193 {
        %add3A_707 = arith.constant 10 : i32
        %add3A_708 = arith.addi %add3A_142, %add3A_707 : i32
        %mul3A_709 = arith.constant 64 : i32
        %mul3A_710 = arith.muli %add3A_708, %mul3A_709 : i32
        %dma_start3A_711 = arith.constant 0 : i32
        %dma_start3A_712 = arith.constant 0 : i32
        %dma_start3A_713 = arith.constant 0 : i32
        %dma_start3A_714 = arith.constant 0 : i32
        %dma_start3A_715 = tpu.memref_slice %arg6[%dma_start3A_711, %dma_start3A_713, %dma_start3A_714] : memref<10x64x128xf32, #tpu.memory_space<vmem>> -> memref<1x64x128xf32, #tpu.memory_space<vmem>>
        %dma_start3A_716 = tpu.memref_squeeze %dma_start3A_715 : memref<1x64x128xf32, #tpu.memory_space<vmem>> -> memref<64x128xf32, #tpu.memory_space<vmem>>
        %dma_start3A_717 = tpu.memref_slice %arg5[%mul3A_710] : memref<6400xi32, #tpu.memory_space<vmem>> -> memref<64xi32, #tpu.memory_space<vmem>>
        %dma_start3A_718 = arith.constant 0 : i32
        %dma_start3A_719 = arith.constant 0 : i32
        %dma_start3A_720 = tpu.memref_slice %arg2[%dma_start3A_718, %dma_start3A_719] : memref<507904x128xf32, #tpu.memory_space<hbm>> -> memref<507904x128xf32, #tpu.memory_space<hbm>>
        %dma_start3A_721 = tpu.memref_slice %arg7[%dma_start3A_712] : memref<10x!tpu.dma_semaphore, #tpu.memory_space<semaphore_mem>> -> memref<1x!tpu.dma_semaphore, #tpu.memory_space<semaphore_mem>>
        %dma_start3A_722 = tpu.memref_squeeze %dma_start3A_721 : memref<1x!tpu.dma_semaphore, #tpu.memory_space<semaphore_mem>> -> memref<!tpu.dma_semaphore, #tpu.memory_space<semaphore_mem>>
        tpu.enqueue_indirect_dma source(%dma_start3A_720 : memref<507904x128xf32, #tpu.memory_space<hbm>>) target(%dma_start3A_716 : memref<64x128xf32, #tpu.memory_space<vmem>>) offsets(%dma_start3A_717 : memref<64xi32, #tpu.memory_space<vmem>>) semaphore(%dma_start3A_722 : memref<!tpu.dma_semaphore, #tpu.memory_space<semaphore_mem>>)
      } else {
      }
      %add3A_194 = arith.constant 1 : i32
      %add3A_195 = arith.addi %add3A_140, %add3A_194 : i32
      %dma_wait3A_196 = arith.constant 1 : i32
      %dma_wait3A_197 = arith.constant 1 : i32
      %dma_wait3A_198 = arith.constant 0 : i32
      %dma_wait3A_199 = arith.constant 0 : i32
      %dma_wait3A_200 = tpu.memref_slice %arg6[%dma_wait3A_196, %dma_wait3A_198, %dma_wait3A_199] : memref<10x64x128xf32, #tpu.memory_space<vmem>> -> memref<1x64x128xf32, #tpu.memory_space<vmem>>
      %dma_wait3A_201 = tpu.memref_squeeze %dma_wait3A_200 : memref<1x64x128xf32, #tpu.memory_space<vmem>> -> memref<64x128xf32, #tpu.memory_space<vmem>>
      %dma_wait3A_202 = arith.constant 0 : i32
      %dma_wait3A_203 = tpu.memref_slice %arg5[%dma_wait3A_202] : memref<6400xi32, #tpu.memory_space<vmem>> -> memref<64xi32, #tpu.memory_space<vmem>>
      %dma_wait3A_204 = arith.constant 0 : i32
      %dma_wait3A_205 = arith.constant 0 : i32
      %dma_wait3A_206 = tpu.memref_slice %arg2[%dma_wait3A_204, %dma_wait3A_205] : memref<507904x128xf32, #tpu.memory_space<hbm>> -> memref<507904x128xf32, #tpu.memory_space<hbm>>
      %dma_wait3A_207 = tpu.memref_slice %arg7[%dma_wait3A_197] : memref<10x!tpu.dma_semaphore, #tpu.memory_space<semaphore_mem>> -> memref<1x!tpu.dma_semaphore, #tpu.memory_space<semaphore_mem>>
      %dma_wait3A_208 = tpu.memref_squeeze %dma_wait3A_207 : memref<1x!tpu.dma_semaphore, #tpu.memory_space<semaphore_mem>> -> memref<!tpu.dma_semaphore, #tpu.memory_space<semaphore_mem>>
      tpu.wait_indirect_dma semaphore(%dma_wait3A_208 : memref<!tpu.dma_semaphore, #tpu.memory_space<semaphore_mem>>) src(%dma_wait3A_206 : memref<507904x128xf32, #tpu.memory_space<hbm>>) dst(%dma_wait3A_201 : memref<64x128xf32, #tpu.memory_space<vmem>>)
      %mul3A_209 = arith.constant 64 : i32
      %mul3A_210 = arith.muli %add3A_195, %mul3A_209 : i32
      %add3A_211 = arith.addi %mul3A_2, %mul3A_210 : i32
      %dma_start3A_212 = arith.constant 1 : i32
      %dma_start3A_213 = arith.constant 1 : i32
      %dma_start3A_214 = arith.constant 0 : i32
      %dma_start3A_215 = arith.constant 0 : i32
      %dma_start3A_216 = tpu.memref_slice %arg6[%dma_start3A_212, %dma_start3A_214, %dma_start3A_215] : memref<10x64x128xf32, #tpu.memory_space<vmem>> -> memref<1x64x128xf32, #tpu.memory_space<vmem>>
      %dma_start3A_217 = tpu.memref_squeeze %dma_start3A_216 : memref<1x64x128xf32, #tpu.memory_space<vmem>> -> memref<64x128xf32, #tpu.memory_space<vmem>>
      %dma_start3A_218 = arith.constant 0 : i32
      %dma_start3A_219 = tpu.memref_slice %arg4[%add3A_211, %dma_start3A_218] : memref<204800x128xf32, #tpu.memory_space<hbm>> -> memref<64x128xf32, #tpu.memory_space<hbm>>
      %dma_start3A_220 = tpu.memref_slice %arg8[%dma_start3A_213] : memref<10x!tpu.dma_semaphore, #tpu.memory_space<semaphore_mem>> -> memref<1x!tpu.dma_semaphore, #tpu.memory_space<semaphore_mem>>
      %dma_start3A_221 = tpu.memref_squeeze %dma_start3A_220 : memref<1x!tpu.dma_semaphore, #tpu.memory_space<semaphore_mem>> -> memref<!tpu.dma_semaphore, #tpu.memory_space<semaphore_mem>>
      %dma_start3A_222 = arith.constant 0 : i32
      %dma_start3A_223 = tpu.memref_slice %arg4[%add3A_211, %dma_start3A_222] : memref<204800x128xf32, #tpu.memory_space<hbm>> -> memref<64x128xf32, #tpu.memory_space<hbm>>
      %dma_start3A_224 = arith.constant 0 : i32
      %dma_start3A_225 = arith.constant 0 : i32
      %dma_start3A_226 = tpu.memref_slice %arg6[%dma_start3A_212, %dma_start3A_224, %dma_start3A_225] : memref<10x64x128xf32, #tpu.memory_space<vmem>> -> memref<1x64x128xf32, #tpu.memory_space<vmem>>
      %dma_start3A_227 = tpu.memref_squeeze %dma_start3A_226 : memref<1x64x128xf32, #tpu.memory_space<vmem>> -> memref<64x128xf32, #tpu.memory_space<vmem>>
      tpu.enqueue_dma source(%dma_start3A_227 : memref<64x128xf32, #tpu.memory_space<vmem>>) target(%dma_start3A_223 : memref<64x128xf32, #tpu.memory_space<hbm>>) target_semaphore(%dma_start3A_221 : memref<!tpu.dma_semaphore, #tpu.memory_space<semaphore_mem>>)
      %dma_wait3A_228 = arith.constant 1 : i32
      %dma_wait3A_229 = arith.constant 1 : i32
      %dma_wait3A_230 = arith.constant 0 : i32
      %dma_wait3A_231 = arith.constant 0 : i32
      %dma_wait3A_232 = tpu.memref_slice %arg6[%dma_wait3A_228, %dma_wait3A_230, %dma_wait3A_231] : memref<10x64x128xf32, #tpu.memory_space<vmem>> -> memref<1x64x128xf32, #tpu.memory_space<vmem>>
      %dma_wait3A_233 = tpu.memref_squeeze %dma_wait3A_232 : memref<1x64x128xf32, #tpu.memory_space<vmem>> -> memref<64x128xf32, #tpu.memory_space<vmem>>
      %dma_wait3A_234 = arith.constant 0 : i32
      %dma_wait3A_235 = tpu.memref_slice %arg4[%add3A_211, %dma_wait3A_234] : memref<204800x128xf32, #tpu.memory_space<hbm>> -> memref<64x128xf32, #tpu.memory_space<hbm>>
      %dma_wait3A_236 = tpu.memref_slice %arg8[%dma_wait3A_229] : memref<10x!tpu.dma_semaphore, #tpu.memory_space<semaphore_mem>> -> memref<1x!tpu.dma_semaphore, #tpu.memory_space<semaphore_mem>>
      %dma_wait3A_237 = tpu.memref_squeeze %dma_wait3A_236 : memref<1x!tpu.dma_semaphore, #tpu.memory_space<semaphore_mem>> -> memref<!tpu.dma_semaphore, #tpu.memory_space<semaphore_mem>>
      %dma_wait3A_238 = arith.constant 0 : i32
      %dma_wait3A_239 = tpu.memref_slice %arg4[%add3A_211, %dma_wait3A_238] : memref<204800x128xf32, #tpu.memory_space<hbm>> -> memref<64x128xf32, #tpu.memory_space<hbm>>
      %dma_wait3A_240 = arith.constant 0 : i32
      %dma_wait3A_241 = arith.constant 0 : i32
      %dma_wait3A_242 = tpu.memref_slice %arg6[%dma_wait3A_228, %dma_wait3A_240, %dma_wait3A_241] : memref<10x64x128xf32, #tpu.memory_space<vmem>> -> memref<1x64x128xf32, #tpu.memory_space<vmem>>
      %dma_wait3A_243 = tpu.memref_squeeze %dma_wait3A_242 : memref<1x64x128xf32, #tpu.memory_space<vmem>> -> memref<64x128xf32, #tpu.memory_space<vmem>>
      tpu.wait_dma2 semaphore(%dma_wait3A_237 : memref<!tpu.dma_semaphore, #tpu.memory_space<semaphore_mem>>) src(%dma_wait3A_243 : memref<64x128xf32, #tpu.memory_space<vmem>>) dst(%dma_wait3A_239 : memref<64x128xf32, #tpu.memory_space<hbm>>)
      %add3A_244 = arith.constant 10 : i32
      %add3A_245 = arith.addi %add3A_195, %add3A_244 : i32
      %lt3A_246 = arith.constant 100 : i32
      %lt3A_247 = arith.cmpi slt, %add3A_245, %lt3A_246 : i32
      %convert_element_type3A_248 = arith.extui %lt3A_247 : i1 to i32
      %cond3A_249 = arith.constant 0 : i32
      %cond3A_250 = arith.cmpi ne, %convert_element_type3A_248, %cond3A_249 : i32
      scf.if %cond3A_250 {
        %add3A_707 = arith.constant 10 : i32
        %add3A_708 = arith.addi %add3A_195, %add3A_707 : i32
        %mul3A_709 = arith.constant 64 : i32
        %mul3A_710 = arith.muli %add3A_708, %mul3A_709 : i32
        %dma_start3A_711 = arith.constant 1 : i32
        %dma_start3A_712 = arith.constant 1 : i32
        %dma_start3A_713 = arith.constant 0 : i32
        %dma_start3A_714 = arith.constant 0 : i32
        %dma_start3A_715 = tpu.memref_slice %arg6[%dma_start3A_711, %dma_start3A_713, %dma_start3A_714] : memref<10x64x128xf32, #tpu.memory_space<vmem>> -> memref<1x64x128xf32, #tpu.memory_space<vmem>>
        %dma_start3A_716 = tpu.memref_squeeze %dma_start3A_715 : memref<1x64x128xf32, #tpu.memory_space<vmem>> -> memref<64x128xf32, #tpu.memory_space<vmem>>
        %dma_start3A_717 = tpu.memref_slice %arg5[%mul3A_710] : memref<6400xi32, #tpu.memory_space<vmem>> -> memref<64xi32, #tpu.memory_space<vmem>>
        %dma_start3A_718 = arith.constant 0 : i32
        %dma_start3A_719 = arith.constant 0 : i32
        %dma_start3A_720 = tpu.memref_slice %arg2[%dma_start3A_718, %dma_start3A_719] : memref<507904x128xf32, #tpu.memory_space<hbm>> -> memref<507904x128xf32, #tpu.memory_space<hbm>>
        %dma_start3A_721 = tpu.memref_slice %arg7[%dma_start3A_712] : memref<10x!tpu.dma_semaphore, #tpu.memory_space<semaphore_mem>> -> memref<1x!tpu.dma_semaphore, #tpu.memory_space<semaphore_mem>>
        %dma_start3A_722 = tpu.memref_squeeze %dma_start3A_721 : memref<1x!tpu.dma_semaphore, #tpu.memory_space<semaphore_mem>> -> memref<!tpu.dma_semaphore, #tpu.memory_space<semaphore_mem>>
        tpu.enqueue_indirect_dma source(%dma_start3A_720 : memref<507904x128xf32, #tpu.memory_space<hbm>>) target(%dma_start3A_716 : memref<64x128xf32, #tpu.memory_space<vmem>>) offsets(%dma_start3A_717 : memref<64xi32, #tpu.memory_space<vmem>>) semaphore(%dma_start3A_722 : memref<!tpu.dma_semaphore, #tpu.memory_space<semaphore_mem>>)
      } else {
      }
      %add3A_251 = arith.constant 2 : i32
      %add3A_252 = arith.addi %add3A_140, %add3A_251 : i32
      %dma_wait3A_253 = arith.constant 2 : i32
      %dma_wait3A_254 = arith.constant 2 : i32
      %dma_wait3A_255 = arith.constant 0 : i32
      %dma_wait3A_256 = arith.constant 0 : i32
      %dma_wait3A_257 = tpu.memref_slice %arg6[%dma_wait3A_253, %dma_wait3A_255, %dma_wait3A_256] : memref<10x64x128xf32, #tpu.memory_space<vmem>> -> memref<1x64x128xf32, #tpu.memory_space<vmem>>
      %dma_wait3A_258 = tpu.memref_squeeze %dma_wait3A_257 : memref<1x64x128xf32, #tpu.memory_space<vmem>> -> memref<64x128xf32, #tpu.memory_space<vmem>>
      %dma_wait3A_259 = arith.constant 0 : i32
      %dma_wait3A_260 = tpu.memref_slice %arg5[%dma_wait3A_259] : memref<6400xi32, #tpu.memory_space<vmem>> -> memref<64xi32, #tpu.memory_space<vmem>>
      %dma_wait3A_261 = arith.constant 0 : i32
      %dma_wait3A_262 = arith.constant 0 : i32
      %dma_wait3A_263 = tpu.memref_slice %arg2[%dma_wait3A_261, %dma_wait3A_262] : memref<507904x128xf32, #tpu.memory_space<hbm>> -> memref<507904x128xf32, #tpu.memory_space<hbm>>
      %dma_wait3A_264 = tpu.memref_slice %arg7[%dma_wait3A_254] : memref<10x!tpu.dma_semaphore, #tpu.memory_space<semaphore_mem>> -> memref<1x!tpu.dma_semaphore, #tpu.memory_space<semaphore_mem>>
      %dma_wait3A_265 = tpu.memref_squeeze %dma_wait3A_264 : memref<1x!tpu.dma_semaphore, #tpu.memory_space<semaphore_mem>> -> memref<!tpu.dma_semaphore, #tpu.memory_space<semaphore_mem>>
      tpu.wait_indirect_dma semaphore(%dma_wait3A_265 : memref<!tpu.dma_semaphore, #tpu.memory_space<semaphore_mem>>) src(%dma_wait3A_263 : memref<507904x128xf32, #tpu.memory_space<hbm>>) dst(%dma_wait3A_258 : memref<64x128xf32, #tpu.memory_space<vmem>>)
      %mul3A_266 = arith.constant 64 : i32
      %mul3A_267 = arith.muli %add3A_252, %mul3A_266 : i32
      %add3A_268 = arith.addi %mul3A_2, %mul3A_267 : i32
      %dma_start3A_269 = arith.constant 2 : i32
      %dma_start3A_270 = arith.constant 2 : i32
      %dma_start3A_271 = arith.constant 0 : i32
      %dma_start3A_272 = arith.constant 0 : i32
      %dma_start3A_273 = tpu.memref_slice %arg6[%dma_start3A_269, %dma_start3A_271, %dma_start3A_272] : memref<10x64x128xf32, #tpu.memory_space<vmem>> -> memref<1x64x128xf32, #tpu.memory_space<vmem>>
      %dma_start3A_274 = tpu.memref_squeeze %dma_start3A_273 : memref<1x64x128xf32, #tpu.memory_space<vmem>> -> memref<64x128xf32, #tpu.memory_space<vmem>>
      %dma_start3A_275 = arith.constant 0 : i32
      %dma_start3A_276 = tpu.memref_slice %arg4[%add3A_268, %dma_start3A_275] : memref<204800x128xf32, #tpu.memory_space<hbm>> -> memref<64x128xf32, #tpu.memory_space<hbm>>
      %dma_start3A_277 = tpu.memref_slice %arg8[%dma_start3A_270] : memref<10x!tpu.dma_semaphore, #tpu.memory_space<semaphore_mem>> -> memref<1x!tpu.dma_semaphore, #tpu.memory_space<semaphore_mem>>
      %dma_start3A_278 = tpu.memref_squeeze %dma_start3A_277 : memref<1x!tpu.dma_semaphore, #tpu.memory_space<semaphore_mem>> -> memref<!tpu.dma_semaphore, #tpu.memory_space<semaphore_mem>>
      %dma_start3A_279 = arith.constant 0 : i32
      %dma_start3A_280 = tpu.memref_slice %arg4[%add3A_268, %dma_start3A_279] : memref<204800x128xf32, #tpu.memory_space<hbm>> -> memref<64x128xf32, #tpu.memory_space<hbm>>
      %dma_start3A_281 = arith.constant 0 : i32
      %dma_start3A_282 = arith.constant 0 : i32
      %dma_start3A_283 = tpu.memref_slice %arg6[%dma_start3A_269, %dma_start3A_281, %dma_start3A_282] : memref<10x64x128xf32, #tpu.memory_space<vmem>> -> memref<1x64x128xf32, #tpu.memory_space<vmem>>
      %dma_start3A_284 = tpu.memref_squeeze %dma_start3A_283 : memref<1x64x128xf32, #tpu.memory_space<vmem>> -> memref<64x128xf32, #tpu.memory_space<vmem>>
      tpu.enqueue_dma source(%dma_start3A_284 : memref<64x128xf32, #tpu.memory_space<vmem>>) target(%dma_start3A_280 : memref<64x128xf32, #tpu.memory_space<hbm>>) target_semaphore(%dma_start3A_278 : memref<!tpu.dma_semaphore, #tpu.memory_space<semaphore_mem>>)
      %dma_wait3A_285 = arith.constant 2 : i32
      %dma_wait3A_286 = arith.constant 2 : i32
      %dma_wait3A_287 = arith.constant 0 : i32
      %dma_wait3A_288 = arith.constant 0 : i32
      %dma_wait3A_289 = tpu.memref_slice %arg6[%dma_wait3A_285, %dma_wait3A_287, %dma_wait3A_288] : memref<10x64x128xf32, #tpu.memory_space<vmem>> -> memref<1x64x128xf32, #tpu.memory_space<vmem>>
      %dma_wait3A_290 = tpu.memref_squeeze %dma_wait3A_289 : memref<1x64x128xf32, #tpu.memory_space<vmem>> -> memref<64x128xf32, #tpu.memory_space<vmem>>
      %dma_wait3A_291 = arith.constant 0 : i32
      %dma_wait3A_292 = tpu.memref_slice %arg4[%add3A_268, %dma_wait3A_291] : memref<204800x128xf32, #tpu.memory_space<hbm>> -> memref<64x128xf32, #tpu.memory_space<hbm>>
      %dma_wait3A_293 = tpu.memref_slice %arg8[%dma_wait3A_286] : memref<10x!tpu.dma_semaphore, #tpu.memory_space<semaphore_mem>> -> memref<1x!tpu.dma_semaphore, #tpu.memory_space<semaphore_mem>>
      %dma_wait3A_294 = tpu.memref_squeeze %dma_wait3A_293 : memref<1x!tpu.dma_semaphore, #tpu.memory_space<semaphore_mem>> -> memref<!tpu.dma_semaphore, #tpu.memory_space<semaphore_mem>>
      %dma_wait3A_295 = arith.constant 0 : i32
      %dma_wait3A_296 = tpu.memref_slice %arg4[%add3A_268, %dma_wait3A_295] : memref<204800x128xf32, #tpu.memory_space<hbm>> -> memref<64x128xf32, #tpu.memory_space<hbm>>
      %dma_wait3A_297 = arith.constant 0 : i32
      %dma_wait3A_298 = arith.constant 0 : i32
      %dma_wait3A_299 = tpu.memref_slice %arg6[%dma_wait3A_285, %dma_wait3A_297, %dma_wait3A_298] : memref<10x64x128xf32, #tpu.memory_space<vmem>> -> memref<1x64x128xf32, #tpu.memory_space<vmem>>
      %dma_wait3A_300 = tpu.memref_squeeze %dma_wait3A_299 : memref<1x64x128xf32, #tpu.memory_space<vmem>> -> memref<64x128xf32, #tpu.memory_space<vmem>>
      tpu.wait_dma2 semaphore(%dma_wait3A_294 : memref<!tpu.dma_semaphore, #tpu.memory_space<semaphore_mem>>) src(%dma_wait3A_300 : memref<64x128xf32, #tpu.memory_space<vmem>>) dst(%dma_wait3A_296 : memref<64x128xf32, #tpu.memory_space<hbm>>)
      %add3A_301 = arith.constant 10 : i32
      %add3A_302 = arith.addi %add3A_252, %add3A_301 : i32
      %lt3A_303 = arith.constant 100 : i32
      %lt3A_304 = arith.cmpi slt, %add3A_302, %lt3A_303 : i32
      %convert_element_type3A_305 = arith.extui %lt3A_304 : i1 to i32
      %cond3A_306 = arith.constant 0 : i32
      %cond3A_307 = arith.cmpi ne, %convert_element_type3A_305, %cond3A_306 : i32
      scf.if %cond3A_307 {
        %add3A_707 = arith.constant 10 : i32
        %add3A_708 = arith.addi %add3A_252, %add3A_707 : i32
        %mul3A_709 = arith.constant 64 : i32
        %mul3A_710 = arith.muli %add3A_708, %mul3A_709 : i32
        %dma_start3A_711 = arith.constant 2 : i32
        %dma_start3A_712 = arith.constant 2 : i32
        %dma_start3A_713 = arith.constant 0 : i32
        %dma_start3A_714 = arith.constant 0 : i32
        %dma_start3A_715 = tpu.memref_slice %arg6[%dma_start3A_711, %dma_start3A_713, %dma_start3A_714] : memref<10x64x128xf32, #tpu.memory_space<vmem>> -> memref<1x64x128xf32, #tpu.memory_space<vmem>>
        %dma_start3A_716 = tpu.memref_squeeze %dma_start3A_715 : memref<1x64x128xf32, #tpu.memory_space<vmem>> -> memref<64x128xf32, #tpu.memory_space<vmem>>
        %dma_start3A_717 = tpu.memref_slice %arg5[%mul3A_710] : memref<6400xi32, #tpu.memory_space<vmem>> -> memref<64xi32, #tpu.memory_space<vmem>>
        %dma_start3A_718 = arith.constant 0 : i32
        %dma_start3A_719 = arith.constant 0 : i32
        %dma_start3A_720 = tpu.memref_slice %arg2[%dma_start3A_718, %dma_start3A_719] : memref<507904x128xf32, #tpu.memory_space<hbm>> -> memref<507904x128xf32, #tpu.memory_space<hbm>>
        %dma_start3A_721 = tpu.memref_slice %arg7[%dma_start3A_712] : memref<10x!tpu.dma_semaphore, #tpu.memory_space<semaphore_mem>> -> memref<1x!tpu.dma_semaphore, #tpu.memory_space<semaphore_mem>>
        %dma_start3A_722 = tpu.memref_squeeze %dma_start3A_721 : memref<1x!tpu.dma_semaphore, #tpu.memory_space<semaphore_mem>> -> memref<!tpu.dma_semaphore, #tpu.memory_space<semaphore_mem>>
        tpu.enqueue_indirect_dma source(%dma_start3A_720 : memref<507904x128xf32, #tpu.memory_space<hbm>>) target(%dma_start3A_716 : memref<64x128xf32, #tpu.memory_space<vmem>>) offsets(%dma_start3A_717 : memref<64xi32, #tpu.memory_space<vmem>>) semaphore(%dma_start3A_722 : memref<!tpu.dma_semaphore, #tpu.memory_space<semaphore_mem>>)
      } else {
      }
      %add3A_308 = arith.constant 3 : i32
      %add3A_309 = arith.addi %add3A_140, %add3A_308 : i32
      %dma_wait3A_310 = arith.constant 3 : i32
      %dma_wait3A_311 = arith.constant 3 : i32
      %dma_wait3A_312 = arith.constant 0 : i32
      %dma_wait3A_313 = arith.constant 0 : i32
      %dma_wait3A_314 = tpu.memref_slice %arg6[%dma_wait3A_310, %dma_wait3A_312, %dma_wait3A_313] : memref<10x64x128xf32, #tpu.memory_space<vmem>> -> memref<1x64x128xf32, #tpu.memory_space<vmem>>
      %dma_wait3A_315 = tpu.memref_squeeze %dma_wait3A_314 : memref<1x64x128xf32, #tpu.memory_space<vmem>> -> memref<64x128xf32, #tpu.memory_space<vmem>>
      %dma_wait3A_316 = arith.constant 0 : i32
      %dma_wait3A_317 = tpu.memref_slice %arg5[%dma_wait3A_316] : memref<6400xi32, #tpu.memory_space<vmem>> -> memref<64xi32, #tpu.memory_space<vmem>>
      %dma_wait3A_318 = arith.constant 0 : i32
      %dma_wait3A_319 = arith.constant 0 : i32
      %dma_wait3A_320 = tpu.memref_slice %arg2[%dma_wait3A_318, %dma_wait3A_319] : memref<507904x128xf32, #tpu.memory_space<hbm>> -> memref<507904x128xf32, #tpu.memory_space<hbm>>
      %dma_wait3A_321 = tpu.memref_slice %arg7[%dma_wait3A_311] : memref<10x!tpu.dma_semaphore, #tpu.memory_space<semaphore_mem>> -> memref<1x!tpu.dma_semaphore, #tpu.memory_space<semaphore_mem>>
      %dma_wait3A_322 = tpu.memref_squeeze %dma_wait3A_321 : memref<1x!tpu.dma_semaphore, #tpu.memory_space<semaphore_mem>> -> memref<!tpu.dma_semaphore, #tpu.memory_space<semaphore_mem>>
      tpu.wait_indirect_dma semaphore(%dma_wait3A_322 : memref<!tpu.dma_semaphore, #tpu.memory_space<semaphore_mem>>) src(%dma_wait3A_320 : memref<507904x128xf32, #tpu.memory_space<hbm>>) dst(%dma_wait3A_315 : memref<64x128xf32, #tpu.memory_space<vmem>>)
      %mul3A_323 = arith.constant 64 : i32
      %mul3A_324 = arith.muli %add3A_309, %mul3A_323 : i32
      %add3A_325 = arith.addi %mul3A_2, %mul3A_324 : i32
      %dma_start3A_326 = arith.constant 3 : i32
      %dma_start3A_327 = arith.constant 3 : i32
      %dma_start3A_328 = arith.constant 0 : i32
      %dma_start3A_329 = arith.constant 0 : i32
      %dma_start3A_330 = tpu.memref_slice %arg6[%dma_start3A_326, %dma_start3A_328, %dma_start3A_329] : memref<10x64x128xf32, #tpu.memory_space<vmem>> -> memref<1x64x128xf32, #tpu.memory_space<vmem>>
      %dma_start3A_331 = tpu.memref_squeeze %dma_start3A_330 : memref<1x64x128xf32, #tpu.memory_space<vmem>> -> memref<64x128xf32, #tpu.memory_space<vmem>>
      %dma_start3A_332 = arith.constant 0 : i32
      %dma_start3A_333 = tpu.memref_slice %arg4[%add3A_325, %dma_start3A_332] : memref<204800x128xf32, #tpu.memory_space<hbm>> -> memref<64x128xf32, #tpu.memory_space<hbm>>
      %dma_start3A_334 = tpu.memref_slice %arg8[%dma_start3A_327] : memref<10x!tpu.dma_semaphore, #tpu.memory_space<semaphore_mem>> -> memref<1x!tpu.dma_semaphore, #tpu.memory_space<semaphore_mem>>
      %dma_start3A_335 = tpu.memref_squeeze %dma_start3A_334 : memref<1x!tpu.dma_semaphore, #tpu.memory_space<semaphore_mem>> -> memref<!tpu.dma_semaphore, #tpu.memory_space<semaphore_mem>>
      %dma_start3A_336 = arith.constant 0 : i32
      %dma_start3A_337 = tpu.memref_slice %arg4[%add3A_325, %dma_start3A_336] : memref<204800x128xf32, #tpu.memory_space<hbm>> -> memref<64x128xf32, #tpu.memory_space<hbm>>
      %dma_start3A_338 = arith.constant 0 : i32
      %dma_start3A_339 = arith.constant 0 : i32
      %dma_start3A_340 = tpu.memref_slice %arg6[%dma_start3A_326, %dma_start3A_338, %dma_start3A_339] : memref<10x64x128xf32, #tpu.memory_space<vmem>> -> memref<1x64x128xf32, #tpu.memory_space<vmem>>
      %dma_start3A_341 = tpu.memref_squeeze %dma_start3A_340 : memref<1x64x128xf32, #tpu.memory_space<vmem>> -> memref<64x128xf32, #tpu.memory_space<vmem>>
      tpu.enqueue_dma source(%dma_start3A_341 : memref<64x128xf32, #tpu.memory_space<vmem>>) target(%dma_start3A_337 : memref<64x128xf32, #tpu.memory_space<hbm>>) target_semaphore(%dma_start3A_335 : memref<!tpu.dma_semaphore, #tpu.memory_space<semaphore_mem>>)
      %dma_wait3A_342 = arith.constant 3 : i32
      %dma_wait3A_343 = arith.constant 3 : i32
      %dma_wait3A_344 = arith.constant 0 : i32
      %dma_wait3A_345 = arith.constant 0 : i32
      %dma_wait3A_346 = tpu.memref_slice %arg6[%dma_wait3A_342, %dma_wait3A_344, %dma_wait3A_345] : memref<10x64x128xf32, #tpu.memory_space<vmem>> -> memref<1x64x128xf32, #tpu.memory_space<vmem>>
      %dma_wait3A_347 = tpu.memref_squeeze %dma_wait3A_346 : memref<1x64x128xf32, #tpu.memory_space<vmem>> -> memref<64x128xf32, #tpu.memory_space<vmem>>
      %dma_wait3A_348 = arith.constant 0 : i32
      %dma_wait3A_349 = tpu.memref_slice %arg4[%add3A_325, %dma_wait3A_348] : memref<204800x128xf32, #tpu.memory_space<hbm>> -> memref<64x128xf32, #tpu.memory_space<hbm>>
      %dma_wait3A_350 = tpu.memref_slice %arg8[%dma_wait3A_343] : memref<10x!tpu.dma_semaphore, #tpu.memory_space<semaphore_mem>> -> memref<1x!tpu.dma_semaphore, #tpu.memory_space<semaphore_mem>>
      %dma_wait3A_351 = tpu.memref_squeeze %dma_wait3A_350 : memref<1x!tpu.dma_semaphore, #tpu.memory_space<semaphore_mem>> -> memref<!tpu.dma_semaphore, #tpu.memory_space<semaphore_mem>>
      %dma_wait3A_352 = arith.constant 0 : i32
      %dma_wait3A_353 = tpu.memref_slice %arg4[%add3A_325, %dma_wait3A_352] : memref<204800x128xf32, #tpu.memory_space<hbm>> -> memref<64x128xf32, #tpu.memory_space<hbm>>
      %dma_wait3A_354 = arith.constant 0 : i32
      %dma_wait3A_355 = arith.constant 0 : i32
      %dma_wait3A_356 = tpu.memref_slice %arg6[%dma_wait3A_342, %dma_wait3A_354, %dma_wait3A_355] : memref<10x64x128xf32, #tpu.memory_space<vmem>> -> memref<1x64x128xf32, #tpu.memory_space<vmem>>
      %dma_wait3A_357 = tpu.memref_squeeze %dma_wait3A_356 : memref<1x64x128xf32, #tpu.memory_space<vmem>> -> memref<64x128xf32, #tpu.memory_space<vmem>>
      tpu.wait_dma2 semaphore(%dma_wait3A_351 : memref<!tpu.dma_semaphore, #tpu.memory_space<semaphore_mem>>) src(%dma_wait3A_357 : memref<64x128xf32, #tpu.memory_space<vmem>>) dst(%dma_wait3A_353 : memref<64x128xf32, #tpu.memory_space<hbm>>)
      %add3A_358 = arith.constant 10 : i32
      %add3A_359 = arith.addi %add3A_309, %add3A_358 : i32
      %lt3A_360 = arith.constant 100 : i32
      %lt3A_361 = arith.cmpi slt, %add3A_359, %lt3A_360 : i32
      %convert_element_type3A_362 = arith.extui %lt3A_361 : i1 to i32
      %cond3A_363 = arith.constant 0 : i32
      %cond3A_364 = arith.cmpi ne, %convert_element_type3A_362, %cond3A_363 : i32
      scf.if %cond3A_364 {
        %add3A_707 = arith.constant 10 : i32
        %add3A_708 = arith.addi %add3A_309, %add3A_707 : i32
        %mul3A_709 = arith.constant 64 : i32
        %mul3A_710 = arith.muli %add3A_708, %mul3A_709 : i32
        %dma_start3A_711 = arith.constant 3 : i32
        %dma_start3A_712 = arith.constant 3 : i32
        %dma_start3A_713 = arith.constant 0 : i32
        %dma_start3A_714 = arith.constant 0 : i32
        %dma_start3A_715 = tpu.memref_slice %arg6[%dma_start3A_711, %dma_start3A_713, %dma_start3A_714] : memref<10x64x128xf32, #tpu.memory_space<vmem>> -> memref<1x64x128xf32, #tpu.memory_space<vmem>>
        %dma_start3A_716 = tpu.memref_squeeze %dma_start3A_715 : memref<1x64x128xf32, #tpu.memory_space<vmem>> -> memref<64x128xf32, #tpu.memory_space<vmem>>
        %dma_start3A_717 = tpu.memref_slice %arg5[%mul3A_710] : memref<6400xi32, #tpu.memory_space<vmem>> -> memref<64xi32, #tpu.memory_space<vmem>>
        %dma_start3A_718 = arith.constant 0 : i32
        %dma_start3A_719 = arith.constant 0 : i32
        %dma_start3A_720 = tpu.memref_slice %arg2[%dma_start3A_718, %dma_start3A_719] : memref<507904x128xf32, #tpu.memory_space<hbm>> -> memref<507904x128xf32, #tpu.memory_space<hbm>>
        %dma_start3A_721 = tpu.memref_slice %arg7[%dma_start3A_712] : memref<10x!tpu.dma_semaphore, #tpu.memory_space<semaphore_mem>> -> memref<1x!tpu.dma_semaphore, #tpu.memory_space<semaphore_mem>>
        %dma_start3A_722 = tpu.memref_squeeze %dma_start3A_721 : memref<1x!tpu.dma_semaphore, #tpu.memory_space<semaphore_mem>> -> memref<!tpu.dma_semaphore, #tpu.memory_space<semaphore_mem>>
        tpu.enqueue_indirect_dma source(%dma_start3A_720 : memref<507904x128xf32, #tpu.memory_space<hbm>>) target(%dma_start3A_716 : memref<64x128xf32, #tpu.memory_space<vmem>>) offsets(%dma_start3A_717 : memref<64xi32, #tpu.memory_space<vmem>>) semaphore(%dma_start3A_722 : memref<!tpu.dma_semaphore, #tpu.memory_space<semaphore_mem>>)
      } else {
      }
      %add3A_365 = arith.constant 4 : i32
      %add3A_366 = arith.addi %add3A_140, %add3A_365 : i32
      %dma_wait3A_367 = arith.constant 4 : i32
      %dma_wait3A_368 = arith.constant 4 : i32
      %dma_wait3A_369 = arith.constant 0 : i32
      %dma_wait3A_370 = arith.constant 0 : i32
      %dma_wait3A_371 = tpu.memref_slice %arg6[%dma_wait3A_367, %dma_wait3A_369, %dma_wait3A_370] : memref<10x64x128xf32, #tpu.memory_space<vmem>> -> memref<1x64x128xf32, #tpu.memory_space<vmem>>
      %dma_wait3A_372 = tpu.memref_squeeze %dma_wait3A_371 : memref<1x64x128xf32, #tpu.memory_space<vmem>> -> memref<64x128xf32, #tpu.memory_space<vmem>>
      %dma_wait3A_373 = arith.constant 0 : i32
      %dma_wait3A_374 = tpu.memref_slice %arg5[%dma_wait3A_373] : memref<6400xi32, #tpu.memory_space<vmem>> -> memref<64xi32, #tpu.memory_space<vmem>>
      %dma_wait3A_375 = arith.constant 0 : i32
      %dma_wait3A_376 = arith.constant 0 : i32
      %dma_wait3A_377 = tpu.memref_slice %arg2[%dma_wait3A_375, %dma_wait3A_376] : memref<507904x128xf32, #tpu.memory_space<hbm>> -> memref<507904x128xf32, #tpu.memory_space<hbm>>
      %dma_wait3A_378 = tpu.memref_slice %arg7[%dma_wait3A_368] : memref<10x!tpu.dma_semaphore, #tpu.memory_space<semaphore_mem>> -> memref<1x!tpu.dma_semaphore, #tpu.memory_space<semaphore_mem>>
      %dma_wait3A_379 = tpu.memref_squeeze %dma_wait3A_378 : memref<1x!tpu.dma_semaphore, #tpu.memory_space<semaphore_mem>> -> memref<!tpu.dma_semaphore, #tpu.memory_space<semaphore_mem>>
      tpu.wait_indirect_dma semaphore(%dma_wait3A_379 : memref<!tpu.dma_semaphore, #tpu.memory_space<semaphore_mem>>) src(%dma_wait3A_377 : memref<507904x128xf32, #tpu.memory_space<hbm>>) dst(%dma_wait3A_372 : memref<64x128xf32, #tpu.memory_space<vmem>>)
      %mul3A_380 = arith.constant 64 : i32
      %mul3A_381 = arith.muli %add3A_366, %mul3A_380 : i32
      %add3A_382 = arith.addi %mul3A_2, %mul3A_381 : i32
      %dma_start3A_383 = arith.constant 4 : i32
      %dma_start3A_384 = arith.constant 4 : i32
      %dma_start3A_385 = arith.constant 0 : i32
      %dma_start3A_386 = arith.constant 0 : i32
      %dma_start3A_387 = tpu.memref_slice %arg6[%dma_start3A_383, %dma_start3A_385, %dma_start3A_386] : memref<10x64x128xf32, #tpu.memory_space<vmem>> -> memref<1x64x128xf32, #tpu.memory_space<vmem>>
      %dma_start3A_388 = tpu.memref_squeeze %dma_start3A_387 : memref<1x64x128xf32, #tpu.memory_space<vmem>> -> memref<64x128xf32, #tpu.memory_space<vmem>>
      %dma_start3A_389 = arith.constant 0 : i32
      %dma_start3A_390 = tpu.memref_slice %arg4[%add3A_382, %dma_start3A_389] : memref<204800x128xf32, #tpu.memory_space<hbm>> -> memref<64x128xf32, #tpu.memory_space<hbm>>
      %dma_start3A_391 = tpu.memref_slice %arg8[%dma_start3A_384] : memref<10x!tpu.dma_semaphore, #tpu.memory_space<semaphore_mem>> -> memref<1x!tpu.dma_semaphore, #tpu.memory_space<semaphore_mem>>
      %dma_start3A_392 = tpu.memref_squeeze %dma_start3A_391 : memref<1x!tpu.dma_semaphore, #tpu.memory_space<semaphore_mem>> -> memref<!tpu.dma_semaphore, #tpu.memory_space<semaphore_mem>>
      %dma_start3A_393 = arith.constant 0 : i32
      %dma_start3A_394 = tpu.memref_slice %arg4[%add3A_382, %dma_start3A_393] : memref<204800x128xf32, #tpu.memory_space<hbm>> -> memref<64x128xf32, #tpu.memory_space<hbm>>
      %dma_start3A_395 = arith.constant 0 : i32
      %dma_start3A_396 = arith.constant 0 : i32
      %dma_start3A_397 = tpu.memref_slice %arg6[%dma_start3A_383, %dma_start3A_395, %dma_start3A_396] : memref<10x64x128xf32, #tpu.memory_space<vmem>> -> memref<1x64x128xf32, #tpu.memory_space<vmem>>
      %dma_start3A_398 = tpu.memref_squeeze %dma_start3A_397 : memref<1x64x128xf32, #tpu.memory_space<vmem>> -> memref<64x128xf32, #tpu.memory_space<vmem>>
      tpu.enqueue_dma source(%dma_start3A_398 : memref<64x128xf32, #tpu.memory_space<vmem>>) target(%dma_start3A_394 : memref<64x128xf32, #tpu.memory_space<hbm>>) target_semaphore(%dma_start3A_392 : memref<!tpu.dma_semaphore, #tpu.memory_space<semaphore_mem>>)
      %dma_wait3A_399 = arith.constant 4 : i32
      %dma_wait3A_400 = arith.constant 4 : i32
      %dma_wait3A_401 = arith.constant 0 : i32
      %dma_wait3A_402 = arith.constant 0 : i32
      %dma_wait3A_403 = tpu.memref_slice %arg6[%dma_wait3A_399, %dma_wait3A_401, %dma_wait3A_402] : memref<10x64x128xf32, #tpu.memory_space<vmem>> -> memref<1x64x128xf32, #tpu.memory_space<vmem>>
      %dma_wait3A_404 = tpu.memref_squeeze %dma_wait3A_403 : memref<1x64x128xf32, #tpu.memory_space<vmem>> -> memref<64x128xf32, #tpu.memory_space<vmem>>
      %dma_wait3A_405 = arith.constant 0 : i32
      %dma_wait3A_406 = tpu.memref_slice %arg4[%add3A_382, %dma_wait3A_405] : memref<204800x128xf32, #tpu.memory_space<hbm>> -> memref<64x128xf32, #tpu.memory_space<hbm>>
      %dma_wait3A_407 = tpu.memref_slice %arg8[%dma_wait3A_400] : memref<10x!tpu.dma_semaphore, #tpu.memory_space<semaphore_mem>> -> memref<1x!tpu.dma_semaphore, #tpu.memory_space<semaphore_mem>>
      %dma_wait3A_408 = tpu.memref_squeeze %dma_wait3A_407 : memref<1x!tpu.dma_semaphore, #tpu.memory_space<semaphore_mem>> -> memref<!tpu.dma_semaphore, #tpu.memory_space<semaphore_mem>>
      %dma_wait3A_409 = arith.constant 0 : i32
      %dma_wait3A_410 = tpu.memref_slice %arg4[%add3A_382, %dma_wait3A_409] : memref<204800x128xf32, #tpu.memory_space<hbm>> -> memref<64x128xf32, #tpu.memory_space<hbm>>
      %dma_wait3A_411 = arith.constant 0 : i32
      %dma_wait3A_412 = arith.constant 0 : i32
      %dma_wait3A_413 = tpu.memref_slice %arg6[%dma_wait3A_399, %dma_wait3A_411, %dma_wait3A_412] : memref<10x64x128xf32, #tpu.memory_space<vmem>> -> memref<1x64x128xf32, #tpu.memory_space<vmem>>
      %dma_wait3A_414 = tpu.memref_squeeze %dma_wait3A_413 : memref<1x64x128xf32, #tpu.memory_space<vmem>> -> memref<64x128xf32, #tpu.memory_space<vmem>>
      tpu.wait_dma2 semaphore(%dma_wait3A_408 : memref<!tpu.dma_semaphore, #tpu.memory_space<semaphore_mem>>) src(%dma_wait3A_414 : memref<64x128xf32, #tpu.memory_space<vmem>>) dst(%dma_wait3A_410 : memref<64x128xf32, #tpu.memory_space<hbm>>)
      %add3A_415 = arith.constant 10 : i32
      %add3A_416 = arith.addi %add3A_366, %add3A_415 : i32
      %lt3A_417 = arith.constant 100 : i32
      %lt3A_418 = arith.cmpi slt, %add3A_416, %lt3A_417 : i32
      %convert_element_type3A_419 = arith.extui %lt3A_418 : i1 to i32
      %cond3A_420 = arith.constant 0 : i32
      %cond3A_421 = arith.cmpi ne, %convert_element_type3A_419, %cond3A_420 : i32
      scf.if %cond3A_421 {
        %add3A_707 = arith.constant 10 : i32
        %add3A_708 = arith.addi %add3A_366, %add3A_707 : i32
        %mul3A_709 = arith.constant 64 : i32
        %mul3A_710 = arith.muli %add3A_708, %mul3A_709 : i32
        %dma_start3A_711 = arith.constant 4 : i32
        %dma_start3A_712 = arith.constant 4 : i32
        %dma_start3A_713 = arith.constant 0 : i32
        %dma_start3A_714 = arith.constant 0 : i32
        %dma_start3A_715 = tpu.memref_slice %arg6[%dma_start3A_711, %dma_start3A_713, %dma_start3A_714] : memref<10x64x128xf32, #tpu.memory_space<vmem>> -> memref<1x64x128xf32, #tpu.memory_space<vmem>>
        %dma_start3A_716 = tpu.memref_squeeze %dma_start3A_715 : memref<1x64x128xf32, #tpu.memory_space<vmem>> -> memref<64x128xf32, #tpu.memory_space<vmem>>
        %dma_start3A_717 = tpu.memref_slice %arg5[%mul3A_710] : memref<6400xi32, #tpu.memory_space<vmem>> -> memref<64xi32, #tpu.memory_space<vmem>>
        %dma_start3A_718 = arith.constant 0 : i32
        %dma_start3A_719 = arith.constant 0 : i32
        %dma_start3A_720 = tpu.memref_slice %arg2[%dma_start3A_718, %dma_start3A_719] : memref<507904x128xf32, #tpu.memory_space<hbm>> -> memref<507904x128xf32, #tpu.memory_space<hbm>>
        %dma_start3A_721 = tpu.memref_slice %arg7[%dma_start3A_712] : memref<10x!tpu.dma_semaphore, #tpu.memory_space<semaphore_mem>> -> memref<1x!tpu.dma_semaphore, #tpu.memory_space<semaphore_mem>>
        %dma_start3A_722 = tpu.memref_squeeze %dma_start3A_721 : memref<1x!tpu.dma_semaphore, #tpu.memory_space<semaphore_mem>> -> memref<!tpu.dma_semaphore, #tpu.memory_space<semaphore_mem>>
        tpu.enqueue_indirect_dma source(%dma_start3A_720 : memref<507904x128xf32, #tpu.memory_space<hbm>>) target(%dma_start3A_716 : memref<64x128xf32, #tpu.memory_space<vmem>>) offsets(%dma_start3A_717 : memref<64xi32, #tpu.memory_space<vmem>>) semaphore(%dma_start3A_722 : memref<!tpu.dma_semaphore, #tpu.memory_space<semaphore_mem>>)
      } else {
      }
      %add3A_422 = arith.constant 5 : i32
      %add3A_423 = arith.addi %add3A_140, %add3A_422 : i32
      %dma_wait3A_424 = arith.constant 5 : i32
      %dma_wait3A_425 = arith.constant 5 : i32
      %dma_wait3A_426 = arith.constant 0 : i32
      %dma_wait3A_427 = arith.constant 0 : i32
      %dma_wait3A_428 = tpu.memref_slice %arg6[%dma_wait3A_424, %dma_wait3A_426, %dma_wait3A_427] : memref<10x64x128xf32, #tpu.memory_space<vmem>> -> memref<1x64x128xf32, #tpu.memory_space<vmem>>
      %dma_wait3A_429 = tpu.memref_squeeze %dma_wait3A_428 : memref<1x64x128xf32, #tpu.memory_space<vmem>> -> memref<64x128xf32, #tpu.memory_space<vmem>>
      %dma_wait3A_430 = arith.constant 0 : i32
      %dma_wait3A_431 = tpu.memref_slice %arg5[%dma_wait3A_430] : memref<6400xi32, #tpu.memory_space<vmem>> -> memref<64xi32, #tpu.memory_space<vmem>>
      %dma_wait3A_432 = arith.constant 0 : i32
      %dma_wait3A_433 = arith.constant 0 : i32
      %dma_wait3A_434 = tpu.memref_slice %arg2[%dma_wait3A_432, %dma_wait3A_433] : memref<507904x128xf32, #tpu.memory_space<hbm>> -> memref<507904x128xf32, #tpu.memory_space<hbm>>
      %dma_wait3A_435 = tpu.memref_slice %arg7[%dma_wait3A_425] : memref<10x!tpu.dma_semaphore, #tpu.memory_space<semaphore_mem>> -> memref<1x!tpu.dma_semaphore, #tpu.memory_space<semaphore_mem>>
      %dma_wait3A_436 = tpu.memref_squeeze %dma_wait3A_435 : memref<1x!tpu.dma_semaphore, #tpu.memory_space<semaphore_mem>> -> memref<!tpu.dma_semaphore, #tpu.memory_space<semaphore_mem>>
      tpu.wait_indirect_dma semaphore(%dma_wait3A_436 : memref<!tpu.dma_semaphore, #tpu.memory_space<semaphore_mem>>) src(%dma_wait3A_434 : memref<507904x128xf32, #tpu.memory_space<hbm>>) dst(%dma_wait3A_429 : memref<64x128xf32, #tpu.memory_space<vmem>>)
      %mul3A_437 = arith.constant 64 : i32
      %mul3A_438 = arith.muli %add3A_423, %mul3A_437 : i32
      %add3A_439 = arith.addi %mul3A_2, %mul3A_438 : i32
      %dma_start3A_440 = arith.constant 5 : i32
      %dma_start3A_441 = arith.constant 5 : i32
      %dma_start3A_442 = arith.constant 0 : i32
      %dma_start3A_443 = arith.constant 0 : i32
      %dma_start3A_444 = tpu.memref_slice %arg6[%dma_start3A_440, %dma_start3A_442, %dma_start3A_443] : memref<10x64x128xf32, #tpu.memory_space<vmem>> -> memref<1x64x128xf32, #tpu.memory_space<vmem>>
      %dma_start3A_445 = tpu.memref_squeeze %dma_start3A_444 : memref<1x64x128xf32, #tpu.memory_space<vmem>> -> memref<64x128xf32, #tpu.memory_space<vmem>>
      %dma_start3A_446 = arith.constant 0 : i32
      %dma_start3A_447 = tpu.memref_slice %arg4[%add3A_439, %dma_start3A_446] : memref<204800x128xf32, #tpu.memory_space<hbm>> -> memref<64x128xf32, #tpu.memory_space<hbm>>
      %dma_start3A_448 = tpu.memref_slice %arg8[%dma_start3A_441] : memref<10x!tpu.dma_semaphore, #tpu.memory_space<semaphore_mem>> -> memref<1x!tpu.dma_semaphore, #tpu.memory_space<semaphore_mem>>
      %dma_start3A_449 = tpu.memref_squeeze %dma_start3A_448 : memref<1x!tpu.dma_semaphore, #tpu.memory_space<semaphore_mem>> -> memref<!tpu.dma_semaphore, #tpu.memory_space<semaphore_mem>>
      %dma_start3A_450 = arith.constant 0 : i32
      %dma_start3A_451 = tpu.memref_slice %arg4[%add3A_439, %dma_start3A_450] : memref<204800x128xf32, #tpu.memory_space<hbm>> -> memref<64x128xf32, #tpu.memory_space<hbm>>
      %dma_start3A_452 = arith.constant 0 : i32
      %dma_start3A_453 = arith.constant 0 : i32
      %dma_start3A_454 = tpu.memref_slice %arg6[%dma_start3A_440, %dma_start3A_452, %dma_start3A_453] : memref<10x64x128xf32, #tpu.memory_space<vmem>> -> memref<1x64x128xf32, #tpu.memory_space<vmem>>
      %dma_start3A_455 = tpu.memref_squeeze %dma_start3A_454 : memref<1x64x128xf32, #tpu.memory_space<vmem>> -> memref<64x128xf32, #tpu.memory_space<vmem>>
      tpu.enqueue_dma source(%dma_start3A_455 : memref<64x128xf32, #tpu.memory_space<vmem>>) target(%dma_start3A_451 : memref<64x128xf32, #tpu.memory_space<hbm>>) target_semaphore(%dma_start3A_449 : memref<!tpu.dma_semaphore, #tpu.memory_space<semaphore_mem>>)
      %dma_wait3A_456 = arith.constant 5 : i32
      %dma_wait3A_457 = arith.constant 5 : i32
      %dma_wait3A_458 = arith.constant 0 : i32
      %dma_wait3A_459 = arith.constant 0 : i32
      %dma_wait3A_460 = tpu.memref_slice %arg6[%dma_wait3A_456, %dma_wait3A_458, %dma_wait3A_459] : memref<10x64x128xf32, #tpu.memory_space<vmem>> -> memref<1x64x128xf32, #tpu.memory_space<vmem>>
      %dma_wait3A_461 = tpu.memref_squeeze %dma_wait3A_460 : memref<1x64x128xf32, #tpu.memory_space<vmem>> -> memref<64x128xf32, #tpu.memory_space<vmem>>
      %dma_wait3A_462 = arith.constant 0 : i32
      %dma_wait3A_463 = tpu.memref_slice %arg4[%add3A_439, %dma_wait3A_462] : memref<204800x128xf32, #tpu.memory_space<hbm>> -> memref<64x128xf32, #tpu.memory_space<hbm>>
      %dma_wait3A_464 = tpu.memref_slice %arg8[%dma_wait3A_457] : memref<10x!tpu.dma_semaphore, #tpu.memory_space<semaphore_mem>> -> memref<1x!tpu.dma_semaphore, #tpu.memory_space<semaphore_mem>>
      %dma_wait3A_465 = tpu.memref_squeeze %dma_wait3A_464 : memref<1x!tpu.dma_semaphore, #tpu.memory_space<semaphore_mem>> -> memref<!tpu.dma_semaphore, #tpu.memory_space<semaphore_mem>>
      %dma_wait3A_466 = arith.constant 0 : i32
      %dma_wait3A_467 = tpu.memref_slice %arg4[%add3A_439, %dma_wait3A_466] : memref<204800x128xf32, #tpu.memory_space<hbm>> -> memref<64x128xf32, #tpu.memory_space<hbm>>
      %dma_wait3A_468 = arith.constant 0 : i32
      %dma_wait3A_469 = arith.constant 0 : i32
      %dma_wait3A_470 = tpu.memref_slice %arg6[%dma_wait3A_456, %dma_wait3A_468, %dma_wait3A_469] : memref<10x64x128xf32, #tpu.memory_space<vmem>> -> memref<1x64x128xf32, #tpu.memory_space<vmem>>
      %dma_wait3A_471 = tpu.memref_squeeze %dma_wait3A_470 : memref<1x64x128xf32, #tpu.memory_space<vmem>> -> memref<64x128xf32, #tpu.memory_space<vmem>>
      tpu.wait_dma2 semaphore(%dma_wait3A_465 : memref<!tpu.dma_semaphore, #tpu.memory_space<semaphore_mem>>) src(%dma_wait3A_471 : memref<64x128xf32, #tpu.memory_space<vmem>>) dst(%dma_wait3A_467 : memref<64x128xf32, #tpu.memory_space<hbm>>)
      %add3A_472 = arith.constant 10 : i32
      %add3A_473 = arith.addi %add3A_423, %add3A_472 : i32
      %lt3A_474 = arith.constant 100 : i32
      %lt3A_475 = arith.cmpi slt, %add3A_473, %lt3A_474 : i32
      %convert_element_type3A_476 = arith.extui %lt3A_475 : i1 to i32
      %cond3A_477 = arith.constant 0 : i32
      %cond3A_478 = arith.cmpi ne, %convert_element_type3A_476, %cond3A_477 : i32
      scf.if %cond3A_478 {
        %add3A_707 = arith.constant 10 : i32
        %add3A_708 = arith.addi %add3A_423, %add3A_707 : i32
        %mul3A_709 = arith.constant 64 : i32
        %mul3A_710 = arith.muli %add3A_708, %mul3A_709 : i32
        %dma_start3A_711 = arith.constant 5 : i32
        %dma_start3A_712 = arith.constant 5 : i32
        %dma_start3A_713 = arith.constant 0 : i32
        %dma_start3A_714 = arith.constant 0 : i32
        %dma_start3A_715 = tpu.memref_slice %arg6[%dma_start3A_711, %dma_start3A_713, %dma_start3A_714] : memref<10x64x128xf32, #tpu.memory_space<vmem>> -> memref<1x64x128xf32, #tpu.memory_space<vmem>>
        %dma_start3A_716 = tpu.memref_squeeze %dma_start3A_715 : memref<1x64x128xf32, #tpu.memory_space<vmem>> -> memref<64x128xf32, #tpu.memory_space<vmem>>
        %dma_start3A_717 = tpu.memref_slice %arg5[%mul3A_710] : memref<6400xi32, #tpu.memory_space<vmem>> -> memref<64xi32, #tpu.memory_space<vmem>>
        %dma_start3A_718 = arith.constant 0 : i32
        %dma_start3A_719 = arith.constant 0 : i32
        %dma_start3A_720 = tpu.memref_slice %arg2[%dma_start3A_718, %dma_start3A_719] : memref<507904x128xf32, #tpu.memory_space<hbm>> -> memref<507904x128xf32, #tpu.memory_space<hbm>>
        %dma_start3A_721 = tpu.memref_slice %arg7[%dma_start3A_712] : memref<10x!tpu.dma_semaphore, #tpu.memory_space<semaphore_mem>> -> memref<1x!tpu.dma_semaphore, #tpu.memory_space<semaphore_mem>>
        %dma_start3A_722 = tpu.memref_squeeze %dma_start3A_721 : memref<1x!tpu.dma_semaphore, #tpu.memory_space<semaphore_mem>> -> memref<!tpu.dma_semaphore, #tpu.memory_space<semaphore_mem>>
        tpu.enqueue_indirect_dma source(%dma_start3A_720 : memref<507904x128xf32, #tpu.memory_space<hbm>>) target(%dma_start3A_716 : memref<64x128xf32, #tpu.memory_space<vmem>>) offsets(%dma_start3A_717 : memref<64xi32, #tpu.memory_space<vmem>>) semaphore(%dma_start3A_722 : memref<!tpu.dma_semaphore, #tpu.memory_space<semaphore_mem>>)
      } else {
      }
      %add3A_479 = arith.constant 6 : i32
      %add3A_480 = arith.addi %add3A_140, %add3A_479 : i32
      %dma_wait3A_481 = arith.constant 6 : i32
      %dma_wait3A_482 = arith.constant 6 : i32
      %dma_wait3A_483 = arith.constant 0 : i32
      %dma_wait3A_484 = arith.constant 0 : i32
      %dma_wait3A_485 = tpu.memref_slice %arg6[%dma_wait3A_481, %dma_wait3A_483, %dma_wait3A_484] : memref<10x64x128xf32, #tpu.memory_space<vmem>> -> memref<1x64x128xf32, #tpu.memory_space<vmem>>
      %dma_wait3A_486 = tpu.memref_squeeze %dma_wait3A_485 : memref<1x64x128xf32, #tpu.memory_space<vmem>> -> memref<64x128xf32, #tpu.memory_space<vmem>>
      %dma_wait3A_487 = arith.constant 0 : i32
      %dma_wait3A_488 = tpu.memref_slice %arg5[%dma_wait3A_487] : memref<6400xi32, #tpu.memory_space<vmem>> -> memref<64xi32, #tpu.memory_space<vmem>>
      %dma_wait3A_489 = arith.constant 0 : i32
      %dma_wait3A_490 = arith.constant 0 : i32
      %dma_wait3A_491 = tpu.memref_slice %arg2[%dma_wait3A_489, %dma_wait3A_490] : memref<507904x128xf32, #tpu.memory_space<hbm>> -> memref<507904x128xf32, #tpu.memory_space<hbm>>
      %dma_wait3A_492 = tpu.memref_slice %arg7[%dma_wait3A_482] : memref<10x!tpu.dma_semaphore, #tpu.memory_space<semaphore_mem>> -> memref<1x!tpu.dma_semaphore, #tpu.memory_space<semaphore_mem>>
      %dma_wait3A_493 = tpu.memref_squeeze %dma_wait3A_492 : memref<1x!tpu.dma_semaphore, #tpu.memory_space<semaphore_mem>> -> memref<!tpu.dma_semaphore, #tpu.memory_space<semaphore_mem>>
      tpu.wait_indirect_dma semaphore(%dma_wait3A_493 : memref<!tpu.dma_semaphore, #tpu.memory_space<semaphore_mem>>) src(%dma_wait3A_491 : memref<507904x128xf32, #tpu.memory_space<hbm>>) dst(%dma_wait3A_486 : memref<64x128xf32, #tpu.memory_space<vmem>>)
      %mul3A_494 = arith.constant 64 : i32
      %mul3A_495 = arith.muli %add3A_480, %mul3A_494 : i32
      %add3A_496 = arith.addi %mul3A_2, %mul3A_495 : i32
      %dma_start3A_497 = arith.constant 6 : i32
      %dma_start3A_498 = arith.constant 6 : i32
      %dma_start3A_499 = arith.constant 0 : i32
      %dma_start3A_500 = arith.constant 0 : i32
      %dma_start3A_501 = tpu.memref_slice %arg6[%dma_start3A_497, %dma_start3A_499, %dma_start3A_500] : memref<10x64x128xf32, #tpu.memory_space<vmem>> -> memref<1x64x128xf32, #tpu.memory_space<vmem>>
      %dma_start3A_502 = tpu.memref_squeeze %dma_start3A_501 : memref<1x64x128xf32, #tpu.memory_space<vmem>> -> memref<64x128xf32, #tpu.memory_space<vmem>>
      %dma_start3A_503 = arith.constant 0 : i32
      %dma_start3A_504 = tpu.memref_slice %arg4[%add3A_496, %dma_start3A_503] : memref<204800x128xf32, #tpu.memory_space<hbm>> -> memref<64x128xf32, #tpu.memory_space<hbm>>
      %dma_start3A_505 = tpu.memref_slice %arg8[%dma_start3A_498] : memref<10x!tpu.dma_semaphore, #tpu.memory_space<semaphore_mem>> -> memref<1x!tpu.dma_semaphore, #tpu.memory_space<semaphore_mem>>
      %dma_start3A_506 = tpu.memref_squeeze %dma_start3A_505 : memref<1x!tpu.dma_semaphore, #tpu.memory_space<semaphore_mem>> -> memref<!tpu.dma_semaphore, #tpu.memory_space<semaphore_mem>>
      %dma_start3A_507 = arith.constant 0 : i32
      %dma_start3A_508 = tpu.memref_slice %arg4[%add3A_496, %dma_start3A_507] : memref<204800x128xf32, #tpu.memory_space<hbm>> -> memref<64x128xf32, #tpu.memory_space<hbm>>
      %dma_start3A_509 = arith.constant 0 : i32
      %dma_start3A_510 = arith.constant 0 : i32
      %dma_start3A_511 = tpu.memref_slice %arg6[%dma_start3A_497, %dma_start3A_509, %dma_start3A_510] : memref<10x64x128xf32, #tpu.memory_space<vmem>> -> memref<1x64x128xf32, #tpu.memory_space<vmem>>
      %dma_start3A_512 = tpu.memref_squeeze %dma_start3A_511 : memref<1x64x128xf32, #tpu.memory_space<vmem>> -> memref<64x128xf32, #tpu.memory_space<vmem>>
      tpu.enqueue_dma source(%dma_start3A_512 : memref<64x128xf32, #tpu.memory_space<vmem>>) target(%dma_start3A_508 : memref<64x128xf32, #tpu.memory_space<hbm>>) target_semaphore(%dma_start3A_506 : memref<!tpu.dma_semaphore, #tpu.memory_space<semaphore_mem>>)
      %dma_wait3A_513 = arith.constant 6 : i32
      %dma_wait3A_514 = arith.constant 6 : i32
      %dma_wait3A_515 = arith.constant 0 : i32
      %dma_wait3A_516 = arith.constant 0 : i32
      %dma_wait3A_517 = tpu.memref_slice %arg6[%dma_wait3A_513, %dma_wait3A_515, %dma_wait3A_516] : memref<10x64x128xf32, #tpu.memory_space<vmem>> -> memref<1x64x128xf32, #tpu.memory_space<vmem>>
      %dma_wait3A_518 = tpu.memref_squeeze %dma_wait3A_517 : memref<1x64x128xf32, #tpu.memory_space<vmem>> -> memref<64x128xf32, #tpu.memory_space<vmem>>
      %dma_wait3A_519 = arith.constant 0 : i32
      %dma_wait3A_520 = tpu.memref_slice %arg4[%add3A_496, %dma_wait3A_519] : memref<204800x128xf32, #tpu.memory_space<hbm>> -> memref<64x128xf32, #tpu.memory_space<hbm>>
      %dma_wait3A_521 = tpu.memref_slice %arg8[%dma_wait3A_514] : memref<10x!tpu.dma_semaphore, #tpu.memory_space<semaphore_mem>> -> memref<1x!tpu.dma_semaphore, #tpu.memory_space<semaphore_mem>>
      %dma_wait3A_522 = tpu.memref_squeeze %dma_wait3A_521 : memref<1x!tpu.dma_semaphore, #tpu.memory_space<semaphore_mem>> -> memref<!tpu.dma_semaphore, #tpu.memory_space<semaphore_mem>>
      %dma_wait3A_523 = arith.constant 0 : i32
      %dma_wait3A_524 = tpu.memref_slice %arg4[%add3A_496, %dma_wait3A_523] : memref<204800x128xf32, #tpu.memory_space<hbm>> -> memref<64x128xf32, #tpu.memory_space<hbm>>
      %dma_wait3A_525 = arith.constant 0 : i32
      %dma_wait3A_526 = arith.constant 0 : i32
      %dma_wait3A_527 = tpu.memref_slice %arg6[%dma_wait3A_513, %dma_wait3A_525, %dma_wait3A_526] : memref<10x64x128xf32, #tpu.memory_space<vmem>> -> memref<1x64x128xf32, #tpu.memory_space<vmem>>
      %dma_wait3A_528 = tpu.memref_squeeze %dma_wait3A_527 : memref<1x64x128xf32, #tpu.memory_space<vmem>> -> memref<64x128xf32, #tpu.memory_space<vmem>>
      tpu.wait_dma2 semaphore(%dma_wait3A_522 : memref<!tpu.dma_semaphore, #tpu.memory_space<semaphore_mem>>) src(%dma_wait3A_528 : memref<64x128xf32, #tpu.memory_space<vmem>>) dst(%dma_wait3A_524 : memref<64x128xf32, #tpu.memory_space<hbm>>)
      %add3A_529 = arith.constant 10 : i32
      %add3A_530 = arith.addi %add3A_480, %add3A_529 : i32
      %lt3A_531 = arith.constant 100 : i32
      %lt3A_532 = arith.cmpi slt, %add3A_530, %lt3A_531 : i32
      %convert_element_type3A_533 = arith.extui %lt3A_532 : i1 to i32
      %cond3A_534 = arith.constant 0 : i32
      %cond3A_535 = arith.cmpi ne, %convert_element_type3A_533, %cond3A_534 : i32
      scf.if %cond3A_535 {
        %add3A_707 = arith.constant 10 : i32
        %add3A_708 = arith.addi %add3A_480, %add3A_707 : i32
        %mul3A_709 = arith.constant 64 : i32
        %mul3A_710 = arith.muli %add3A_708, %mul3A_709 : i32
        %dma_start3A_711 = arith.constant 6 : i32
        %dma_start3A_712 = arith.constant 6 : i32
        %dma_start3A_713 = arith.constant 0 : i32
        %dma_start3A_714 = arith.constant 0 : i32
        %dma_start3A_715 = tpu.memref_slice %arg6[%dma_start3A_711, %dma_start3A_713, %dma_start3A_714] : memref<10x64x128xf32, #tpu.memory_space<vmem>> -> memref<1x64x128xf32, #tpu.memory_space<vmem>>
        %dma_start3A_716 = tpu.memref_squeeze %dma_start3A_715 : memref<1x64x128xf32, #tpu.memory_space<vmem>> -> memref<64x128xf32, #tpu.memory_space<vmem>>
        %dma_start3A_717 = tpu.memref_slice %arg5[%mul3A_710] : memref<6400xi32, #tpu.memory_space<vmem>> -> memref<64xi32, #tpu.memory_space<vmem>>
        %dma_start3A_718 = arith.constant 0 : i32
        %dma_start3A_719 = arith.constant 0 : i32
        %dma_start3A_720 = tpu.memref_slice %arg2[%dma_start3A_718, %dma_start3A_719] : memref<507904x128xf32, #tpu.memory_space<hbm>> -> memref<507904x128xf32, #tpu.memory_space<hbm>>
        %dma_start3A_721 = tpu.memref_slice %arg7[%dma_start3A_712] : memref<10x!tpu.dma_semaphore, #tpu.memory_space<semaphore_mem>> -> memref<1x!tpu.dma_semaphore, #tpu.memory_space<semaphore_mem>>
        %dma_start3A_722 = tpu.memref_squeeze %dma_start3A_721 : memref<1x!tpu.dma_semaphore, #tpu.memory_space<semaphore_mem>> -> memref<!tpu.dma_semaphore, #tpu.memory_space<semaphore_mem>>
        tpu.enqueue_indirect_dma source(%dma_start3A_720 : memref<507904x128xf32, #tpu.memory_space<hbm>>) target(%dma_start3A_716 : memref<64x128xf32, #tpu.memory_space<vmem>>) offsets(%dma_start3A_717 : memref<64xi32, #tpu.memory_space<vmem>>) semaphore(%dma_start3A_722 : memref<!tpu.dma_semaphore, #tpu.memory_space<semaphore_mem>>)
      } else {
      }
      %add3A_536 = arith.constant 7 : i32
      %add3A_537 = arith.addi %add3A_140, %add3A_536 : i32
      %dma_wait3A_538 = arith.constant 7 : i32
      %dma_wait3A_539 = arith.constant 7 : i32
      %dma_wait3A_540 = arith.constant 0 : i32
      %dma_wait3A_541 = arith.constant 0 : i32
      %dma_wait3A_542 = tpu.memref_slice %arg6[%dma_wait3A_538, %dma_wait3A_540, %dma_wait3A_541] : memref<10x64x128xf32, #tpu.memory_space<vmem>> -> memref<1x64x128xf32, #tpu.memory_space<vmem>>
      %dma_wait3A_543 = tpu.memref_squeeze %dma_wait3A_542 : memref<1x64x128xf32, #tpu.memory_space<vmem>> -> memref<64x128xf32, #tpu.memory_space<vmem>>
      %dma_wait3A_544 = arith.constant 0 : i32
      %dma_wait3A_545 = tpu.memref_slice %arg5[%dma_wait3A_544] : memref<6400xi32, #tpu.memory_space<vmem>> -> memref<64xi32, #tpu.memory_space<vmem>>
      %dma_wait3A_546 = arith.constant 0 : i32
      %dma_wait3A_547 = arith.constant 0 : i32
      %dma_wait3A_548 = tpu.memref_slice %arg2[%dma_wait3A_546, %dma_wait3A_547] : memref<507904x128xf32, #tpu.memory_space<hbm>> -> memref<507904x128xf32, #tpu.memory_space<hbm>>
      %dma_wait3A_549 = tpu.memref_slice %arg7[%dma_wait3A_539] : memref<10x!tpu.dma_semaphore, #tpu.memory_space<semaphore_mem>> -> memref<1x!tpu.dma_semaphore, #tpu.memory_space<semaphore_mem>>
      %dma_wait3A_550 = tpu.memref_squeeze %dma_wait3A_549 : memref<1x!tpu.dma_semaphore, #tpu.memory_space<semaphore_mem>> -> memref<!tpu.dma_semaphore, #tpu.memory_space<semaphore_mem>>
      tpu.wait_indirect_dma semaphore(%dma_wait3A_550 : memref<!tpu.dma_semaphore, #tpu.memory_space<semaphore_mem>>) src(%dma_wait3A_548 : memref<507904x128xf32, #tpu.memory_space<hbm>>) dst(%dma_wait3A_543 : memref<64x128xf32, #tpu.memory_space<vmem>>)
      %mul3A_551 = arith.constant 64 : i32
      %mul3A_552 = arith.muli %add3A_537, %mul3A_551 : i32
      %add3A_553 = arith.addi %mul3A_2, %mul3A_552 : i32
      %dma_start3A_554 = arith.constant 7 : i32
      %dma_start3A_555 = arith.constant 7 : i32
      %dma_start3A_556 = arith.constant 0 : i32
      %dma_start3A_557 = arith.constant 0 : i32
      %dma_start3A_558 = tpu.memref_slice %arg6[%dma_start3A_554, %dma_start3A_556, %dma_start3A_557] : memref<10x64x128xf32, #tpu.memory_space<vmem>> -> memref<1x64x128xf32, #tpu.memory_space<vmem>>
      %dma_start3A_559 = tpu.memref_squeeze %dma_start3A_558 : memref<1x64x128xf32, #tpu.memory_space<vmem>> -> memref<64x128xf32, #tpu.memory_space<vmem>>
      %dma_start3A_560 = arith.constant 0 : i32
      %dma_start3A_561 = tpu.memref_slice %arg4[%add3A_553, %dma_start3A_560] : memref<204800x128xf32, #tpu.memory_space<hbm>> -> memref<64x128xf32, #tpu.memory_space<hbm>>
      %dma_start3A_562 = tpu.memref_slice %arg8[%dma_start3A_555] : memref<10x!tpu.dma_semaphore, #tpu.memory_space<semaphore_mem>> -> memref<1x!tpu.dma_semaphore, #tpu.memory_space<semaphore_mem>>
      %dma_start3A_563 = tpu.memref_squeeze %dma_start3A_562 : memref<1x!tpu.dma_semaphore, #tpu.memory_space<semaphore_mem>> -> memref<!tpu.dma_semaphore, #tpu.memory_space<semaphore_mem>>
      %dma_start3A_564 = arith.constant 0 : i32
      %dma_start3A_565 = tpu.memref_slice %arg4[%add3A_553, %dma_start3A_564] : memref<204800x128xf32, #tpu.memory_space<hbm>> -> memref<64x128xf32, #tpu.memory_space<hbm>>
      %dma_start3A_566 = arith.constant 0 : i32
      %dma_start3A_567 = arith.constant 0 : i32
      %dma_start3A_568 = tpu.memref_slice %arg6[%dma_start3A_554, %dma_start3A_566, %dma_start3A_567] : memref<10x64x128xf32, #tpu.memory_space<vmem>> -> memref<1x64x128xf32, #tpu.memory_space<vmem>>
      %dma_start3A_569 = tpu.memref_squeeze %dma_start3A_568 : memref<1x64x128xf32, #tpu.memory_space<vmem>> -> memref<64x128xf32, #tpu.memory_space<vmem>>
      tpu.enqueue_dma source(%dma_start3A_569 : memref<64x128xf32, #tpu.memory_space<vmem>>) target(%dma_start3A_565 : memref<64x128xf32, #tpu.memory_space<hbm>>) target_semaphore(%dma_start3A_563 : memref<!tpu.dma_semaphore, #tpu.memory_space<semaphore_mem>>)
      %dma_wait3A_570 = arith.constant 7 : i32
      %dma_wait3A_571 = arith.constant 7 : i32
      %dma_wait3A_572 = arith.constant 0 : i32
      %dma_wait3A_573 = arith.constant 0 : i32
      %dma_wait3A_574 = tpu.memref_slice %arg6[%dma_wait3A_570, %dma_wait3A_572, %dma_wait3A_573] : memref<10x64x128xf32, #tpu.memory_space<vmem>> -> memref<1x64x128xf32, #tpu.memory_space<vmem>>
      %dma_wait3A_575 = tpu.memref_squeeze %dma_wait3A_574 : memref<1x64x128xf32, #tpu.memory_space<vmem>> -> memref<64x128xf32, #tpu.memory_space<vmem>>
      %dma_wait3A_576 = arith.constant 0 : i32
      %dma_wait3A_577 = tpu.memref_slice %arg4[%add3A_553, %dma_wait3A_576] : memref<204800x128xf32, #tpu.memory_space<hbm>> -> memref<64x128xf32, #tpu.memory_space<hbm>>
      %dma_wait3A_578 = tpu.memref_slice %arg8[%dma_wait3A_571] : memref<10x!tpu.dma_semaphore, #tpu.memory_space<semaphore_mem>> -> memref<1x!tpu.dma_semaphore, #tpu.memory_space<semaphore_mem>>
      %dma_wait3A_579 = tpu.memref_squeeze %dma_wait3A_578 : memref<1x!tpu.dma_semaphore, #tpu.memory_space<semaphore_mem>> -> memref<!tpu.dma_semaphore, #tpu.memory_space<semaphore_mem>>
      %dma_wait3A_580 = arith.constant 0 : i32
      %dma_wait3A_581 = tpu.memref_slice %arg4[%add3A_553, %dma_wait3A_580] : memref<204800x128xf32, #tpu.memory_space<hbm>> -> memref<64x128xf32, #tpu.memory_space<hbm>>
      %dma_wait3A_582 = arith.constant 0 : i32
      %dma_wait3A_583 = arith.constant 0 : i32
      %dma_wait3A_584 = tpu.memref_slice %arg6[%dma_wait3A_570, %dma_wait3A_582, %dma_wait3A_583] : memref<10x64x128xf32, #tpu.memory_space<vmem>> -> memref<1x64x128xf32, #tpu.memory_space<vmem>>
      %dma_wait3A_585 = tpu.memref_squeeze %dma_wait3A_584 : memref<1x64x128xf32, #tpu.memory_space<vmem>> -> memref<64x128xf32, #tpu.memory_space<vmem>>
      tpu.wait_dma2 semaphore(%dma_wait3A_579 : memref<!tpu.dma_semaphore, #tpu.memory_space<semaphore_mem>>) src(%dma_wait3A_585 : memref<64x128xf32, #tpu.memory_space<vmem>>) dst(%dma_wait3A_581 : memref<64x128xf32, #tpu.memory_space<hbm>>)
      %add3A_586 = arith.constant 10 : i32
      %add3A_587 = arith.addi %add3A_537, %add3A_586 : i32
      %lt3A_588 = arith.constant 100 : i32
      %lt3A_589 = arith.cmpi slt, %add3A_587, %lt3A_588 : i32
      %convert_element_type3A_590 = arith.extui %lt3A_589 : i1 to i32
      %cond3A_591 = arith.constant 0 : i32
      %cond3A_592 = arith.cmpi ne, %convert_element_type3A_590, %cond3A_591 : i32
      scf.if %cond3A_592 {
        %add3A_707 = arith.constant 10 : i32
        %add3A_708 = arith.addi %add3A_537, %add3A_707 : i32
        %mul3A_709 = arith.constant 64 : i32
        %mul3A_710 = arith.muli %add3A_708, %mul3A_709 : i32
        %dma_start3A_711 = arith.constant 7 : i32
        %dma_start3A_712 = arith.constant 7 : i32
        %dma_start3A_713 = arith.constant 0 : i32
        %dma_start3A_714 = arith.constant 0 : i32
        %dma_start3A_715 = tpu.memref_slice %arg6[%dma_start3A_711, %dma_start3A_713, %dma_start3A_714] : memref<10x64x128xf32, #tpu.memory_space<vmem>> -> memref<1x64x128xf32, #tpu.memory_space<vmem>>
        %dma_start3A_716 = tpu.memref_squeeze %dma_start3A_715 : memref<1x64x128xf32, #tpu.memory_space<vmem>> -> memref<64x128xf32, #tpu.memory_space<vmem>>
        %dma_start3A_717 = tpu.memref_slice %arg5[%mul3A_710] : memref<6400xi32, #tpu.memory_space<vmem>> -> memref<64xi32, #tpu.memory_space<vmem>>
        %dma_start3A_718 = arith.constant 0 : i32
        %dma_start3A_719 = arith.constant 0 : i32
        %dma_start3A_720 = tpu.memref_slice %arg2[%dma_start3A_718, %dma_start3A_719] : memref<507904x128xf32, #tpu.memory_space<hbm>> -> memref<507904x128xf32, #tpu.memory_space<hbm>>
        %dma_start3A_721 = tpu.memref_slice %arg7[%dma_start3A_712] : memref<10x!tpu.dma_semaphore, #tpu.memory_space<semaphore_mem>> -> memref<1x!tpu.dma_semaphore, #tpu.memory_space<semaphore_mem>>
        %dma_start3A_722 = tpu.memref_squeeze %dma_start3A_721 : memref<1x!tpu.dma_semaphore, #tpu.memory_space<semaphore_mem>> -> memref<!tpu.dma_semaphore, #tpu.memory_space<semaphore_mem>>
        tpu.enqueue_indirect_dma source(%dma_start3A_720 : memref<507904x128xf32, #tpu.memory_space<hbm>>) target(%dma_start3A_716 : memref<64x128xf32, #tpu.memory_space<vmem>>) offsets(%dma_start3A_717 : memref<64xi32, #tpu.memory_space<vmem>>) semaphore(%dma_start3A_722 : memref<!tpu.dma_semaphore, #tpu.memory_space<semaphore_mem>>)
      } else {
      }
      %add3A_593 = arith.constant 8 : i32
      %add3A_594 = arith.addi %add3A_140, %add3A_593 : i32
      %dma_wait3A_595 = arith.constant 8 : i32
      %dma_wait3A_596 = arith.constant 8 : i32
      %dma_wait3A_597 = arith.constant 0 : i32
      %dma_wait3A_598 = arith.constant 0 : i32
      %dma_wait3A_599 = tpu.memref_slice %arg6[%dma_wait3A_595, %dma_wait3A_597, %dma_wait3A_598] : memref<10x64x128xf32, #tpu.memory_space<vmem>> -> memref<1x64x128xf32, #tpu.memory_space<vmem>>
      %dma_wait3A_600 = tpu.memref_squeeze %dma_wait3A_599 : memref<1x64x128xf32, #tpu.memory_space<vmem>> -> memref<64x128xf32, #tpu.memory_space<vmem>>
      %dma_wait3A_601 = arith.constant 0 : i32
      %dma_wait3A_602 = tpu.memref_slice %arg5[%dma_wait3A_601] : memref<6400xi32, #tpu.memory_space<vmem>> -> memref<64xi32, #tpu.memory_space<vmem>>
      %dma_wait3A_603 = arith.constant 0 : i32
      %dma_wait3A_604 = arith.constant 0 : i32
      %dma_wait3A_605 = tpu.memref_slice %arg2[%dma_wait3A_603, %dma_wait3A_604] : memref<507904x128xf32, #tpu.memory_space<hbm>> -> memref<507904x128xf32, #tpu.memory_space<hbm>>
      %dma_wait3A_606 = tpu.memref_slice %arg7[%dma_wait3A_596] : memref<10x!tpu.dma_semaphore, #tpu.memory_space<semaphore_mem>> -> memref<1x!tpu.dma_semaphore, #tpu.memory_space<semaphore_mem>>
      %dma_wait3A_607 = tpu.memref_squeeze %dma_wait3A_606 : memref<1x!tpu.dma_semaphore, #tpu.memory_space<semaphore_mem>> -> memref<!tpu.dma_semaphore, #tpu.memory_space<semaphore_mem>>
      tpu.wait_indirect_dma semaphore(%dma_wait3A_607 : memref<!tpu.dma_semaphore, #tpu.memory_space<semaphore_mem>>) src(%dma_wait3A_605 : memref<507904x128xf32, #tpu.memory_space<hbm>>) dst(%dma_wait3A_600 : memref<64x128xf32, #tpu.memory_space<vmem>>)
      %mul3A_608 = arith.constant 64 : i32
      %mul3A_609 = arith.muli %add3A_594, %mul3A_608 : i32
      %add3A_610 = arith.addi %mul3A_2, %mul3A_609 : i32
      %dma_start3A_611 = arith.constant 8 : i32
      %dma_start3A_612 = arith.constant 8 : i32
      %dma_start3A_613 = arith.constant 0 : i32
      %dma_start3A_614 = arith.constant 0 : i32
      %dma_start3A_615 = tpu.memref_slice %arg6[%dma_start3A_611, %dma_start3A_613, %dma_start3A_614] : memref<10x64x128xf32, #tpu.memory_space<vmem>> -> memref<1x64x128xf32, #tpu.memory_space<vmem>>
      %dma_start3A_616 = tpu.memref_squeeze %dma_start3A_615 : memref<1x64x128xf32, #tpu.memory_space<vmem>> -> memref<64x128xf32, #tpu.memory_space<vmem>>
      %dma_start3A_617 = arith.constant 0 : i32
      %dma_start3A_618 = tpu.memref_slice %arg4[%add3A_610, %dma_start3A_617] : memref<204800x128xf32, #tpu.memory_space<hbm>> -> memref<64x128xf32, #tpu.memory_space<hbm>>
      %dma_start3A_619 = tpu.memref_slice %arg8[%dma_start3A_612] : memref<10x!tpu.dma_semaphore, #tpu.memory_space<semaphore_mem>> -> memref<1x!tpu.dma_semaphore, #tpu.memory_space<semaphore_mem>>
      %dma_start3A_620 = tpu.memref_squeeze %dma_start3A_619 : memref<1x!tpu.dma_semaphore, #tpu.memory_space<semaphore_mem>> -> memref<!tpu.dma_semaphore, #tpu.memory_space<semaphore_mem>>
      %dma_start3A_621 = arith.constant 0 : i32
      %dma_start3A_622 = tpu.memref_slice %arg4[%add3A_610, %dma_start3A_621] : memref<204800x128xf32, #tpu.memory_space<hbm>> -> memref<64x128xf32, #tpu.memory_space<hbm>>
      %dma_start3A_623 = arith.constant 0 : i32
      %dma_start3A_624 = arith.constant 0 : i32
      %dma_start3A_625 = tpu.memref_slice %arg6[%dma_start3A_611, %dma_start3A_623, %dma_start3A_624] : memref<10x64x128xf32, #tpu.memory_space<vmem>> -> memref<1x64x128xf32, #tpu.memory_space<vmem>>
      %dma_start3A_626 = tpu.memref_squeeze %dma_start3A_625 : memref<1x64x128xf32, #tpu.memory_space<vmem>> -> memref<64x128xf32, #tpu.memory_space<vmem>>
      tpu.enqueue_dma source(%dma_start3A_626 : memref<64x128xf32, #tpu.memory_space<vmem>>) target(%dma_start3A_622 : memref<64x128xf32, #tpu.memory_space<hbm>>) target_semaphore(%dma_start3A_620 : memref<!tpu.dma_semaphore, #tpu.memory_space<semaphore_mem>>)
      %dma_wait3A_627 = arith.constant 8 : i32
      %dma_wait3A_628 = arith.constant 8 : i32
      %dma_wait3A_629 = arith.constant 0 : i32
      %dma_wait3A_630 = arith.constant 0 : i32
      %dma_wait3A_631 = tpu.memref_slice %arg6[%dma_wait3A_627, %dma_wait3A_629, %dma_wait3A_630] : memref<10x64x128xf32, #tpu.memory_space<vmem>> -> memref<1x64x128xf32, #tpu.memory_space<vmem>>
      %dma_wait3A_632 = tpu.memref_squeeze %dma_wait3A_631 : memref<1x64x128xf32, #tpu.memory_space<vmem>> -> memref<64x128xf32, #tpu.memory_space<vmem>>
      %dma_wait3A_633 = arith.constant 0 : i32
      %dma_wait3A_634 = tpu.memref_slice %arg4[%add3A_610, %dma_wait3A_633] : memref<204800x128xf32, #tpu.memory_space<hbm>> -> memref<64x128xf32, #tpu.memory_space<hbm>>
      %dma_wait3A_635 = tpu.memref_slice %arg8[%dma_wait3A_628] : memref<10x!tpu.dma_semaphore, #tpu.memory_space<semaphore_mem>> -> memref<1x!tpu.dma_semaphore, #tpu.memory_space<semaphore_mem>>
      %dma_wait3A_636 = tpu.memref_squeeze %dma_wait3A_635 : memref<1x!tpu.dma_semaphore, #tpu.memory_space<semaphore_mem>> -> memref<!tpu.dma_semaphore, #tpu.memory_space<semaphore_mem>>
      %dma_wait3A_637 = arith.constant 0 : i32
      %dma_wait3A_638 = tpu.memref_slice %arg4[%add3A_610, %dma_wait3A_637] : memref<204800x128xf32, #tpu.memory_space<hbm>> -> memref<64x128xf32, #tpu.memory_space<hbm>>
      %dma_wait3A_639 = arith.constant 0 : i32
      %dma_wait3A_640 = arith.constant 0 : i32
      %dma_wait3A_641 = tpu.memref_slice %arg6[%dma_wait3A_627, %dma_wait3A_639, %dma_wait3A_640] : memref<10x64x128xf32, #tpu.memory_space<vmem>> -> memref<1x64x128xf32, #tpu.memory_space<vmem>>
      %dma_wait3A_642 = tpu.memref_squeeze %dma_wait3A_641 : memref<1x64x128xf32, #tpu.memory_space<vmem>> -> memref<64x128xf32, #tpu.memory_space<vmem>>
      tpu.wait_dma2 semaphore(%dma_wait3A_636 : memref<!tpu.dma_semaphore, #tpu.memory_space<semaphore_mem>>) src(%dma_wait3A_642 : memref<64x128xf32, #tpu.memory_space<vmem>>) dst(%dma_wait3A_638 : memref<64x128xf32, #tpu.memory_space<hbm>>)
      %add3A_643 = arith.constant 10 : i32
      %add3A_644 = arith.addi %add3A_594, %add3A_643 : i32
      %lt3A_645 = arith.constant 100 : i32
      %lt3A_646 = arith.cmpi slt, %add3A_644, %lt3A_645 : i32
      %convert_element_type3A_647 = arith.extui %lt3A_646 : i1 to i32
      %cond3A_648 = arith.constant 0 : i32
      %cond3A_649 = arith.cmpi ne, %convert_element_type3A_647, %cond3A_648 : i32
      scf.if %cond3A_649 {
        %add3A_707 = arith.constant 10 : i32
        %add3A_708 = arith.addi %add3A_594, %add3A_707 : i32
        %mul3A_709 = arith.constant 64 : i32
        %mul3A_710 = arith.muli %add3A_708, %mul3A_709 : i32
        %dma_start3A_711 = arith.constant 8 : i32
        %dma_start3A_712 = arith.constant 8 : i32
        %dma_start3A_713 = arith.constant 0 : i32
        %dma_start3A_714 = arith.constant 0 : i32
        %dma_start3A_715 = tpu.memref_slice %arg6[%dma_start3A_711, %dma_start3A_713, %dma_start3A_714] : memref<10x64x128xf32, #tpu.memory_space<vmem>> -> memref<1x64x128xf32, #tpu.memory_space<vmem>>
        %dma_start3A_716 = tpu.memref_squeeze %dma_start3A_715 : memref<1x64x128xf32, #tpu.memory_space<vmem>> -> memref<64x128xf32, #tpu.memory_space<vmem>>
        %dma_start3A_717 = tpu.memref_slice %arg5[%mul3A_710] : memref<6400xi32, #tpu.memory_space<vmem>> -> memref<64xi32, #tpu.memory_space<vmem>>
        %dma_start3A_718 = arith.constant 0 : i32
        %dma_start3A_719 = arith.constant 0 : i32
        %dma_start3A_720 = tpu.memref_slice %arg2[%dma_start3A_718, %dma_start3A_719] : memref<507904x128xf32, #tpu.memory_space<hbm>> -> memref<507904x128xf32, #tpu.memory_space<hbm>>
        %dma_start3A_721 = tpu.memref_slice %arg7[%dma_start3A_712] : memref<10x!tpu.dma_semaphore, #tpu.memory_space<semaphore_mem>> -> memref<1x!tpu.dma_semaphore, #tpu.memory_space<semaphore_mem>>
        %dma_start3A_722 = tpu.memref_squeeze %dma_start3A_721 : memref<1x!tpu.dma_semaphore, #tpu.memory_space<semaphore_mem>> -> memref<!tpu.dma_semaphore, #tpu.memory_space<semaphore_mem>>
        tpu.enqueue_indirect_dma source(%dma_start3A_720 : memref<507904x128xf32, #tpu.memory_space<hbm>>) target(%dma_start3A_716 : memref<64x128xf32, #tpu.memory_space<vmem>>) offsets(%dma_start3A_717 : memref<64xi32, #tpu.memory_space<vmem>>) semaphore(%dma_start3A_722 : memref<!tpu.dma_semaphore, #tpu.memory_space<semaphore_mem>>)
      } else {
      }
      %add3A_650 = arith.constant 9 : i32
      %add3A_651 = arith.addi %add3A_140, %add3A_650 : i32
      %dma_wait3A_652 = arith.constant 9 : i32
      %dma_wait3A_653 = arith.constant 9 : i32
      %dma_wait3A_654 = arith.constant 0 : i32
      %dma_wait3A_655 = arith.constant 0 : i32
      %dma_wait3A_656 = tpu.memref_slice %arg6[%dma_wait3A_652, %dma_wait3A_654, %dma_wait3A_655] : memref<10x64x128xf32, #tpu.memory_space<vmem>> -> memref<1x64x128xf32, #tpu.memory_space<vmem>>
      %dma_wait3A_657 = tpu.memref_squeeze %dma_wait3A_656 : memref<1x64x128xf32, #tpu.memory_space<vmem>> -> memref<64x128xf32, #tpu.memory_space<vmem>>
      %dma_wait3A_658 = arith.constant 0 : i32
      %dma_wait3A_659 = tpu.memref_slice %arg5[%dma_wait3A_658] : memref<6400xi32, #tpu.memory_space<vmem>> -> memref<64xi32, #tpu.memory_space<vmem>>
      %dma_wait3A_660 = arith.constant 0 : i32
      %dma_wait3A_661 = arith.constant 0 : i32
      %dma_wait3A_662 = tpu.memref_slice %arg2[%dma_wait3A_660, %dma_wait3A_661] : memref<507904x128xf32, #tpu.memory_space<hbm>> -> memref<507904x128xf32, #tpu.memory_space<hbm>>
      %dma_wait3A_663 = tpu.memref_slice %arg7[%dma_wait3A_653] : memref<10x!tpu.dma_semaphore, #tpu.memory_space<semaphore_mem>> -> memref<1x!tpu.dma_semaphore, #tpu.memory_space<semaphore_mem>>
      %dma_wait3A_664 = tpu.memref_squeeze %dma_wait3A_663 : memref<1x!tpu.dma_semaphore, #tpu.memory_space<semaphore_mem>> -> memref<!tpu.dma_semaphore, #tpu.memory_space<semaphore_mem>>
      tpu.wait_indirect_dma semaphore(%dma_wait3A_664 : memref<!tpu.dma_semaphore, #tpu.memory_space<semaphore_mem>>) src(%dma_wait3A_662 : memref<507904x128xf32, #tpu.memory_space<hbm>>) dst(%dma_wait3A_657 : memref<64x128xf32, #tpu.memory_space<vmem>>)
      %mul3A_665 = arith.constant 64 : i32
      %mul3A_666 = arith.muli %add3A_651, %mul3A_665 : i32
      %add3A_667 = arith.addi %mul3A_2, %mul3A_666 : i32
      %dma_start3A_668 = arith.constant 9 : i32
      %dma_start3A_669 = arith.constant 9 : i32
      %dma_start3A_670 = arith.constant 0 : i32
      %dma_start3A_671 = arith.constant 0 : i32
      %dma_start3A_672 = tpu.memref_slice %arg6[%dma_start3A_668, %dma_start3A_670, %dma_start3A_671] : memref<10x64x128xf32, #tpu.memory_space<vmem>> -> memref<1x64x128xf32, #tpu.memory_space<vmem>>
      %dma_start3A_673 = tpu.memref_squeeze %dma_start3A_672 : memref<1x64x128xf32, #tpu.memory_space<vmem>> -> memref<64x128xf32, #tpu.memory_space<vmem>>
      %dma_start3A_674 = arith.constant 0 : i32
      %dma_start3A_675 = tpu.memref_slice %arg4[%add3A_667, %dma_start3A_674] : memref<204800x128xf32, #tpu.memory_space<hbm>> -> memref<64x128xf32, #tpu.memory_space<hbm>>
      %dma_start3A_676 = tpu.memref_slice %arg8[%dma_start3A_669] : memref<10x!tpu.dma_semaphore, #tpu.memory_space<semaphore_mem>> -> memref<1x!tpu.dma_semaphore, #tpu.memory_space<semaphore_mem>>
      %dma_start3A_677 = tpu.memref_squeeze %dma_start3A_676 : memref<1x!tpu.dma_semaphore, #tpu.memory_space<semaphore_mem>> -> memref<!tpu.dma_semaphore, #tpu.memory_space<semaphore_mem>>
      %dma_start3A_678 = arith.constant 0 : i32
      %dma_start3A_679 = tpu.memref_slice %arg4[%add3A_667, %dma_start3A_678] : memref<204800x128xf32, #tpu.memory_space<hbm>> -> memref<64x128xf32, #tpu.memory_space<hbm>>
      %dma_start3A_680 = arith.constant 0 : i32
      %dma_start3A_681 = arith.constant 0 : i32
      %dma_start3A_682 = tpu.memref_slice %arg6[%dma_start3A_668, %dma_start3A_680, %dma_start3A_681] : memref<10x64x128xf32, #tpu.memory_space<vmem>> -> memref<1x64x128xf32, #tpu.memory_space<vmem>>
      %dma_start3A_683 = tpu.memref_squeeze %dma_start3A_682 : memref<1x64x128xf32, #tpu.memory_space<vmem>> -> memref<64x128xf32, #tpu.memory_space<vmem>>
      tpu.enqueue_dma source(%dma_start3A_683 : memref<64x128xf32, #tpu.memory_space<vmem>>) target(%dma_start3A_679 : memref<64x128xf32, #tpu.memory_space<hbm>>) target_semaphore(%dma_start3A_677 : memref<!tpu.dma_semaphore, #tpu.memory_space<semaphore_mem>>)
      %dma_wait3A_684 = arith.constant 9 : i32
      %dma_wait3A_685 = arith.constant 9 : i32
      %dma_wait3A_686 = arith.constant 0 : i32
      %dma_wait3A_687 = arith.constant 0 : i32
      %dma_wait3A_688 = tpu.memref_slice %arg6[%dma_wait3A_684, %dma_wait3A_686, %dma_wait3A_687] : memref<10x64x128xf32, #tpu.memory_space<vmem>> -> memref<1x64x128xf32, #tpu.memory_space<vmem>>
      %dma_wait3A_689 = tpu.memref_squeeze %dma_wait3A_688 : memref<1x64x128xf32, #tpu.memory_space<vmem>> -> memref<64x128xf32, #tpu.memory_space<vmem>>
      %dma_wait3A_690 = arith.constant 0 : i32
      %dma_wait3A_691 = tpu.memref_slice %arg4[%add3A_667, %dma_wait3A_690] : memref<204800x128xf32, #tpu.memory_space<hbm>> -> memref<64x128xf32, #tpu.memory_space<hbm>>
      %dma_wait3A_692 = tpu.memref_slice %arg8[%dma_wait3A_685] : memref<10x!tpu.dma_semaphore, #tpu.memory_space<semaphore_mem>> -> memref<1x!tpu.dma_semaphore, #tpu.memory_space<semaphore_mem>>
      %dma_wait3A_693 = tpu.memref_squeeze %dma_wait3A_692 : memref<1x!tpu.dma_semaphore, #tpu.memory_space<semaphore_mem>> -> memref<!tpu.dma_semaphore, #tpu.memory_space<semaphore_mem>>
      %dma_wait3A_694 = arith.constant 0 : i32
      %dma_wait3A_695 = tpu.memref_slice %arg4[%add3A_667, %dma_wait3A_694] : memref<204800x128xf32, #tpu.memory_space<hbm>> -> memref<64x128xf32, #tpu.memory_space<hbm>>
      %dma_wait3A_696 = arith.constant 0 : i32
      %dma_wait3A_697 = arith.constant 0 : i32
      %dma_wait3A_698 = tpu.memref_slice %arg6[%dma_wait3A_684, %dma_wait3A_696, %dma_wait3A_697] : memref<10x64x128xf32, #tpu.memory_space<vmem>> -> memref<1x64x128xf32, #tpu.memory_space<vmem>>
      %dma_wait3A_699 = tpu.memref_squeeze %dma_wait3A_698 : memref<1x64x128xf32, #tpu.memory_space<vmem>> -> memref<64x128xf32, #tpu.memory_space<vmem>>
      tpu.wait_dma2 semaphore(%dma_wait3A_693 : memref<!tpu.dma_semaphore, #tpu.memory_space<semaphore_mem>>) src(%dma_wait3A_699 : memref<64x128xf32, #tpu.memory_space<vmem>>) dst(%dma_wait3A_695 : memref<64x128xf32, #tpu.memory_space<hbm>>)
      %add3A_700 = arith.constant 10 : i32
      %add3A_701 = arith.addi %add3A_651, %add3A_700 : i32
      %lt3A_702 = arith.constant 100 : i32
      %lt3A_703 = arith.cmpi slt, %add3A_701, %lt3A_702 : i32
      %convert_element_type3A_704 = arith.extui %lt3A_703 : i1 to i32
      %cond3A_705 = arith.constant 0 : i32
      %cond3A_706 = arith.cmpi ne, %convert_element_type3A_704, %cond3A_705 : i32
      scf.if %cond3A_706 {
        %add3A_707 = arith.constant 10 : i32
        %add3A_708 = arith.addi %add3A_651, %add3A_707 : i32
        %mul3A_709 = arith.constant 64 : i32
        %mul3A_710 = arith.muli %add3A_708, %mul3A_709 : i32
        %dma_start3A_711 = arith.constant 9 : i32
        %dma_start3A_712 = arith.constant 9 : i32
        %dma_start3A_713 = arith.constant 0 : i32
        %dma_start3A_714 = arith.constant 0 : i32
        %dma_start3A_715 = tpu.memref_slice %arg6[%dma_start3A_711, %dma_start3A_713, %dma_start3A_714] : memref<10x64x128xf32, #tpu.memory_space<vmem>> -> memref<1x64x128xf32, #tpu.memory_space<vmem>>
        %dma_start3A_716 = tpu.memref_squeeze %dma_start3A_715 : memref<1x64x128xf32, #tpu.memory_space<vmem>> -> memref<64x128xf32, #tpu.memory_space<vmem>>
        %dma_start3A_717 = tpu.memref_slice %arg5[%mul3A_710] : memref<6400xi32, #tpu.memory_space<vmem>> -> memref<64xi32, #tpu.memory_space<vmem>>
        %dma_start3A_718 = arith.constant 0 : i32
        %dma_start3A_719 = arith.constant 0 : i32
        %dma_start3A_720 = tpu.memref_slice %arg2[%dma_start3A_718, %dma_start3A_719] : memref<507904x128xf32, #tpu.memory_space<hbm>> -> memref<507904x128xf32, #tpu.memory_space<hbm>>
        %dma_start3A_721 = tpu.memref_slice %arg7[%dma_start3A_712] : memref<10x!tpu.dma_semaphore, #tpu.memory_space<semaphore_mem>> -> memref<1x!tpu.dma_semaphore, #tpu.memory_space<semaphore_mem>>
        %dma_start3A_722 = tpu.memref_squeeze %dma_start3A_721 : memref<1x!tpu.dma_semaphore, #tpu.memory_space<semaphore_mem>> -> memref<!tpu.dma_semaphore, #tpu.memory_space<semaphore_mem>>
        tpu.enqueue_indirect_dma source(%dma_start3A_720 : memref<507904x128xf32, #tpu.memory_space<hbm>>) target(%dma_start3A_716 : memref<64x128xf32, #tpu.memory_space<vmem>>) offsets(%dma_start3A_717 : memref<64xi32, #tpu.memory_space<vmem>>) semaphore(%dma_start3A_722 : memref<!tpu.dma_semaphore, #tpu.memory_space<semaphore_mem>>)
      } else {
      }
    }
    %scan3A_135 = arith.constant 10 : i32
    return
  }
}

module attributes {stable_mosaic.version = 14 : i64} {
  func.func @body(%arg0: i32, %arg1: memref<64x16384xf32, #tpu.memory_space<vmem>>, %arg2: memref<64x16384xf32, #tpu.memory_space<vmem>>, %arg3: memref<16384x128xf32, #tpu.memory_space<vmem>>) attributes {dimension_semantics = [#tpu.dimension_semantics<arbitrary>], iteration_bounds = array<i64: 31>, scalar_prefetch = 0 : i64, scratch_operands = 0 : i64, tpu.core_type = #tpu.core_type<tc>, window_params = [{transform_indices = @transform_0, window_bounds = array<i64: 64, 16384>}, {transform_indices = @transform_1, window_bounds = array<i64: 64, 16384>}, {transform_indices = @transform_2, window_bounds = array<i64: 16384, 128>}]} {
    %get3A = arith.constant 0 : index
    %get3A_0 = arith.constant 0 : index
    %get3A_1 = vector.load %arg1[%get3A, %get3A_0] : memref<64x16384xf32, #tpu.memory_space<vmem>>, vector<64x16384xf32>
    %get3A_2 = arith.constant 0 : index
    %get3A_3 = arith.constant 0 : index
    %get3A_4 = vector.load %arg2[%get3A_2, %get3A_3] : memref<64x16384xf32, #tpu.memory_space<vmem>>, vector<64x16384xf32>
    %concatenate3A = tpu.concatenate %get3A_1, %get3A_4 in 0 : vector<64x16384xf32>, vector<64x16384xf32> -> vector<128x16384xf32>
    %transpose3A = tpu.transpose %concatenate3A, [1, 0] : vector<128x16384xf32> -> vector<16384x128xf32>
    %swap3A = arith.constant 0 : index
    %swap3A_5 = arith.constant 0 : index
    %swap3A_6 = vector.load %arg3[%swap3A, %swap3A_5] : memref<16384x128xf32, #tpu.memory_space<vmem>>, vector<16384x128xf32>
    tpu.vector_store %arg3[%swap3A, %swap3A_5], %transpose3A {strides = array<i32>} : memref<16384x128xf32, #tpu.memory_space<vmem>>, vector<16384x128xf32>,
    return
  }
  func.func @transform_0(%arg0: i32) -> (i32, i32) {
    %mul3A = arith.constant 2 : i32
    %mul3A_0 = arith.muli %mul3A, %arg0 : i32
    %min3A = arith.constant 61 : i32
    %min3A_1 = arith.minsi %mul3A_0, %min3A : i32
    %c0_i32 = arith.constant 0 : i32
    %c0_i32_2 = arith.constant 0 : i32
    return %c0_i32, %min3A_1 : i32, i32
  }
  func.func @transform_1(%arg0: i32) -> (i32, i32) {
    %mul3A = arith.constant 2 : i32
    %mul3A_0 = arith.muli %mul3A, %arg0 : i32
    %add3A = arith.constant 1 : i32
    %add3A_1 = arith.addi %mul3A_0, %add3A : i32
    %min3A = arith.constant 61 : i32
    %min3A_2 = arith.minsi %add3A_1, %min3A : i32
    %c0_i32 = arith.constant 0 : i32
    %c0_i32_3 = arith.constant 0 : i32
    return %c0_i32, %min3A_2 : i32, i32
  }
  func.func @transform_2(%arg0: i32) -> (i32, i32) {
    %c0_i32 = arith.constant 0 : i32
    %c0_i32_0 = arith.constant 0 : i32
    return %arg0, %c0_i32 : i32, i32
  }
}

module attributes {stable_mosaic.version = 14 : i64} {
  func.func @body(%arg0: i32, %arg1: memref<20480x128xf32, #tpu.memory_space<vmem>>, %arg2: memref<5x1x4096xi32, #tpu.memory_space<vmem>>, %arg3: memref<5x64x4096xf32, #tpu.memory_space<vmem>>) attributes {dimension_semantics = [#tpu.dimension_semantics<arbitrary>], iteration_bounds = array<i64: 10>, scalar_prefetch = 0 : i64, scratch_operands = 0 : i64, tpu.core_type = #tpu.core_type<tc>, window_params = [{transform_indices = @transform_0, window_bounds = array<i64: 20480, 128>}, {transform_indices = @transform_1, window_bounds = array<i64: 5, 1, 4096>}, {transform_indices = @transform_2, window_bounds = array<i64: 5, 64, 4096>}]} {
    %get3A = arith.constant 0 : index
    %get3A_0 = arith.constant 0 : index
    %get3A_1 = vector.load %arg1[%get3A, %get3A_0] : memref<20480x128xf32, #tpu.memory_space<vmem>>, vector<4096x128xf32>
    %transpose3A = tpu.transpose %get3A_1, [1, 0] : vector<4096x128xf32> -> vector<128x4096xf32>
    %get3A_2 = arith.constant 0 : index
    %get3A_3 = arith.constant 0 : index
    %get3A_4 = arith.constant 0 : index
    %get3A_5 = vector.load %arg2[%get3A_2, %get3A_3, %get3A_4] : memref<5x1x4096xi32, #tpu.memory_space<vmem>>, vector<1x1x4096xi32>
    %get3A_6 = vector.shape_cast %get3A_5 : vector<1x1x4096xi32> to vector<1x4096xi32>
    %shift_right_arithmetic3A = arith.constant 14 : i32
    %shift_right_arithmetic3A_7 = vector.broadcast %shift_right_arithmetic3A : i32 to vector<1x4096xi32>
    %shift_right_arithmetic3A_8 = arith.shrsi %get3A_6, %shift_right_arithmetic3A_7 : vector<1x4096xi32>
    %and3A = arith.constant 1 : i32
    %and3A_9 = vector.broadcast %and3A : i32 to vector<1x4096xi32>
    %and3A_10 = arith.andi %shift_right_arithmetic3A_8, %and3A_9 : vector<1x4096xi32>
    %eq3A = arith.constant 1 : i32
    %eq3A_11 = vector.broadcast %eq3A : i32 to vector<1x4096xi32>
    %eq3A_12 = arith.cmpi eq, %and3A_10, %eq3A_11 : vector<1x4096xi32>
    %slice3A = vector.extract_strided_slice %transpose3A {offsets = [64, 0], sizes = [64, 4096], strides = [1, 1]} : vector<128x4096xf32> to vector<64x4096xf32>
    %slice3A_13 = vector.extract_strided_slice %transpose3A {offsets = [0, 0], sizes = [64, 4096], strides = [1, 1]} : vector<128x4096xf32> to vector<64x4096xf32>
    %broadcast_in_dim3A = vector.shape_cast %eq3A_12 : vector<1x4096xi1> to vector<1x4096xi1>
    %broadcast_in_dim3A_14 = vector.broadcast %broadcast_in_dim3A : vector<1x4096xi1> to vector<64x4096xi1>
    %select_n3A = arith.select %broadcast_in_dim3A_14, %slice3A, %slice3A_13 : vector<64x4096xi1>, vector<64x4096xf32>
    %swap3A = arith.constant 0 : index
    %swap3A_15 = arith.constant 0 : index
    %swap3A_16 = arith.constant 0 : index
    %swap3A_17 = vector.load %arg3[%swap3A, %swap3A_15, %swap3A_16] : memref<5x64x4096xf32, #tpu.memory_space<vmem>>, vector<1x64x4096xf32>
    %swap3A_18 = vector.shape_cast %swap3A_17 : vector<1x64x4096xf32> to vector<64x4096xf32>
    %swap3A_19 = vector.shape_cast %select_n3A : vector<64x4096xf32> to vector<1x64x4096xf32>
    tpu.vector_store %arg3[%swap3A, %swap3A_15, %swap3A_16], %swap3A_19 {strides = array<i32>} : memref<5x64x4096xf32, #tpu.memory_space<vmem>>, vector<1x64x4096xf32>,
    %get3A_20 = arith.constant 4096 : index
    %get3A_21 = arith.constant 0 : index
    %get3A_22 = vector.load %arg1[%get3A_20, %get3A_21] : memref<20480x128xf32, #tpu.memory_space<vmem>>, vector<4096x128xf32>
    %transpose3A_23 = tpu.transpose %get3A_22, [1, 0] : vector<4096x128xf32> -> vector<128x4096xf32>
    %get3A_24 = arith.constant 1 : index
    %get3A_25 = arith.constant 0 : index
    %get3A_26 = arith.constant 0 : index
    %get3A_27 = vector.load %arg2[%get3A_24, %get3A_25, %get3A_26] : memref<5x1x4096xi32, #tpu.memory_space<vmem>>, vector<1x1x4096xi32>
    %get3A_28 = vector.shape_cast %get3A_27 : vector<1x1x4096xi32> to vector<1x4096xi32>
    %shift_right_arithmetic3A_29 = arith.constant 14 : i32
    %shift_right_arithmetic3A_30 = vector.broadcast %shift_right_arithmetic3A_29 : i32 to vector<1x4096xi32>
    %shift_right_arithmetic3A_31 = arith.shrsi %get3A_28, %shift_right_arithmetic3A_30 : vector<1x4096xi32>
    %and3A_32 = arith.constant 1 : i32
    %and3A_33 = vector.broadcast %and3A_32 : i32 to vector<1x4096xi32>
    %and3A_34 = arith.andi %shift_right_arithmetic3A_31, %and3A_33 : vector<1x4096xi32>
    %eq3A_35 = arith.constant 1 : i32
    %eq3A_36 = vector.broadcast %eq3A_35 : i32 to vector<1x4096xi32>
    %eq3A_37 = arith.cmpi eq, %and3A_34, %eq3A_36 : vector<1x4096xi32>
    %slice3A_38 = vector.extract_strided_slice %transpose3A_23 {offsets = [64, 0], sizes = [64, 4096], strides = [1, 1]} : vector<128x4096xf32> to vector<64x4096xf32>
    %slice3A_39 = vector.extract_strided_slice %transpose3A_23 {offsets = [0, 0], sizes = [64, 4096], strides = [1, 1]} : vector<128x4096xf32> to vector<64x4096xf32>
    %broadcast_in_dim3A_40 = vector.shape_cast %eq3A_37 : vector<1x4096xi1> to vector<1x4096xi1>
    %broadcast_in_dim3A_41 = vector.broadcast %broadcast_in_dim3A_40 : vector<1x4096xi1> to vector<64x4096xi1>
    %select_n3A_42 = arith.select %broadcast_in_dim3A_41, %slice3A_38, %slice3A_39 : vector<64x4096xi1>, vector<64x4096xf32>
    %swap3A_43 = arith.constant 1 : index
    %swap3A_44 = arith.constant 0 : index
    %swap3A_45 = arith.constant 0 : index
    %swap3A_46 = vector.load %arg3[%swap3A_43, %swap3A_44, %swap3A_45] : memref<5x64x4096xf32, #tpu.memory_space<vmem>>, vector<1x64x4096xf32>
    %swap3A_47 = vector.shape_cast %swap3A_46 : vector<1x64x4096xf32> to vector<64x4096xf32>
    %swap3A_48 = vector.shape_cast %select_n3A_42 : vector<64x4096xf32> to vector<1x64x4096xf32>
    tpu.vector_store %arg3[%swap3A_43, %swap3A_44, %swap3A_45], %swap3A_48 {strides = array<i32>} : memref<5x64x4096xf32, #tpu.memory_space<vmem>>, vector<1x64x4096xf32>,
    %get3A_49 = arith.constant 8192 : index
    %get3A_50 = arith.constant 0 : index
    %get3A_51 = vector.load %arg1[%get3A_49, %get3A_50] : memref<20480x128xf32, #tpu.memory_space<vmem>>, vector<4096x128xf32>
    %transpose3A_52 = tpu.transpose %get3A_51, [1, 0] : vector<4096x128xf32> -> vector<128x4096xf32>
    %get3A_53 = arith.constant 2 : index
    %get3A_54 = arith.constant 0 : index
    %get3A_55 = arith.constant 0 : index
    %get3A_56 = vector.load %arg2[%get3A_53, %get3A_54, %get3A_55] : memref<5x1x4096xi32, #tpu.memory_space<vmem>>, vector<1x1x4096xi32>
    %get3A_57 = vector.shape_cast %get3A_56 : vector<1x1x4096xi32> to vector<1x4096xi32>
    %shift_right_arithmetic3A_58 = arith.constant 14 : i32
    %shift_right_arithmetic3A_59 = vector.broadcast %shift_right_arithmetic3A_58 : i32 to vector<1x4096xi32>
    %shift_right_arithmetic3A_60 = arith.shrsi %get3A_57, %shift_right_arithmetic3A_59 : vector<1x4096xi32>
    %and3A_61 = arith.constant 1 : i32
    %and3A_62 = vector.broadcast %and3A_61 : i32 to vector<1x4096xi32>
    %and3A_63 = arith.andi %shift_right_arithmetic3A_60, %and3A_62 : vector<1x4096xi32>
    %eq3A_64 = arith.constant 1 : i32
    %eq3A_65 = vector.broadcast %eq3A_64 : i32 to vector<1x4096xi32>
    %eq3A_66 = arith.cmpi eq, %and3A_63, %eq3A_65 : vector<1x4096xi32>
    %slice3A_67 = vector.extract_strided_slice %transpose3A_52 {offsets = [64, 0], sizes = [64, 4096], strides = [1, 1]} : vector<128x4096xf32> to vector<64x4096xf32>
    %slice3A_68 = vector.extract_strided_slice %transpose3A_52 {offsets = [0, 0], sizes = [64, 4096], strides = [1, 1]} : vector<128x4096xf32> to vector<64x4096xf32>
    %broadcast_in_dim3A_69 = vector.shape_cast %eq3A_66 : vector<1x4096xi1> to vector<1x4096xi1>
    %broadcast_in_dim3A_70 = vector.broadcast %broadcast_in_dim3A_69 : vector<1x4096xi1> to vector<64x4096xi1>
    %select_n3A_71 = arith.select %broadcast_in_dim3A_70, %slice3A_67, %slice3A_68 : vector<64x4096xi1>, vector<64x4096xf32>
    %swap3A_72 = arith.constant 2 : index
    %swap3A_73 = arith.constant 0 : index
    %swap3A_74 = arith.constant 0 : index
    %swap3A_75 = vector.load %arg3[%swap3A_72, %swap3A_73, %swap3A_74] : memref<5x64x4096xf32, #tpu.memory_space<vmem>>, vector<1x64x4096xf32>
    %swap3A_76 = vector.shape_cast %swap3A_75 : vector<1x64x4096xf32> to vector<64x4096xf32>
    %swap3A_77 = vector.shape_cast %select_n3A_71 : vector<64x4096xf32> to vector<1x64x4096xf32>
    tpu.vector_store %arg3[%swap3A_72, %swap3A_73, %swap3A_74], %swap3A_77 {strides = array<i32>} : memref<5x64x4096xf32, #tpu.memory_space<vmem>>, vector<1x64x4096xf32>,
    %get3A_78 = arith.constant 12288 : index
    %get3A_79 = arith.constant 0 : index
    %get3A_80 = vector.load %arg1[%get3A_78, %get3A_79] : memref<20480x128xf32, #tpu.memory_space<vmem>>, vector<4096x128xf32>
    %transpose3A_81 = tpu.transpose %get3A_80, [1, 0] : vector<4096x128xf32> -> vector<128x4096xf32>
    %get3A_82 = arith.constant 3 : index
    %get3A_83 = arith.constant 0 : index
    %get3A_84 = arith.constant 0 : index
    %get3A_85 = vector.load %arg2[%get3A_82, %get3A_83, %get3A_84] : memref<5x1x4096xi32, #tpu.memory_space<vmem>>, vector<1x1x4096xi32>
    %get3A_86 = vector.shape_cast %get3A_85 : vector<1x1x4096xi32> to vector<1x4096xi32>
    %shift_right_arithmetic3A_87 = arith.constant 14 : i32
    %shift_right_arithmetic3A_88 = vector.broadcast %shift_right_arithmetic3A_87 : i32 to vector<1x4096xi32>
    %shift_right_arithmetic3A_89 = arith.shrsi %get3A_86, %shift_right_arithmetic3A_88 : vector<1x4096xi32>
    %and3A_90 = arith.constant 1 : i32
    %and3A_91 = vector.broadcast %and3A_90 : i32 to vector<1x4096xi32>
    %and3A_92 = arith.andi %shift_right_arithmetic3A_89, %and3A_91 : vector<1x4096xi32>
    %eq3A_93 = arith.constant 1 : i32
    %eq3A_94 = vector.broadcast %eq3A_93 : i32 to vector<1x4096xi32>
    %eq3A_95 = arith.cmpi eq, %and3A_92, %eq3A_94 : vector<1x4096xi32>
    %slice3A_96 = vector.extract_strided_slice %transpose3A_81 {offsets = [64, 0], sizes = [64, 4096], strides = [1, 1]} : vector<128x4096xf32> to vector<64x4096xf32>
    %slice3A_97 = vector.extract_strided_slice %transpose3A_81 {offsets = [0, 0], sizes = [64, 4096], strides = [1, 1]} : vector<128x4096xf32> to vector<64x4096xf32>
    %broadcast_in_dim3A_98 = vector.shape_cast %eq3A_95 : vector<1x4096xi1> to vector<1x4096xi1>
    %broadcast_in_dim3A_99 = vector.broadcast %broadcast_in_dim3A_98 : vector<1x4096xi1> to vector<64x4096xi1>
    %select_n3A_100 = arith.select %broadcast_in_dim3A_99, %slice3A_96, %slice3A_97 : vector<64x4096xi1>, vector<64x4096xf32>
    %swap3A_101 = arith.constant 3 : index
    %swap3A_102 = arith.constant 0 : index
    %swap3A_103 = arith.constant 0 : index
    %swap3A_104 = vector.load %arg3[%swap3A_101, %swap3A_102, %swap3A_103] : memref<5x64x4096xf32, #tpu.memory_space<vmem>>, vector<1x64x4096xf32>
    %swap3A_105 = vector.shape_cast %swap3A_104 : vector<1x64x4096xf32> to vector<64x4096xf32>
    %swap3A_106 = vector.shape_cast %select_n3A_100 : vector<64x4096xf32> to vector<1x64x4096xf32>
    tpu.vector_store %arg3[%swap3A_101, %swap3A_102, %swap3A_103], %swap3A_106 {strides = array<i32>} : memref<5x64x4096xf32, #tpu.memory_space<vmem>>, vector<1x64x4096xf32>,
    %get3A_107 = arith.constant 16384 : index
    %get3A_108 = arith.constant 0 : index
    %get3A_109 = vector.load %arg1[%get3A_107, %get3A_108] : memref<20480x128xf32, #tpu.memory_space<vmem>>, vector<4096x128xf32>
    %transpose3A_110 = tpu.transpose %get3A_109, [1, 0] : vector<4096x128xf32> -> vector<128x4096xf32>
    %get3A_111 = arith.constant 4 : index
    %get3A_112 = arith.constant 0 : index
    %get3A_113 = arith.constant 0 : index
    %get3A_114 = vector.load %arg2[%get3A_111, %get3A_112, %get3A_113] : memref<5x1x4096xi32, #tpu.memory_space<vmem>>, vector<1x1x4096xi32>
    %get3A_115 = vector.shape_cast %get3A_114 : vector<1x1x4096xi32> to vector<1x4096xi32>
    %shift_right_arithmetic3A_116 = arith.constant 14 : i32
    %shift_right_arithmetic3A_117 = vector.broadcast %shift_right_arithmetic3A_116 : i32 to vector<1x4096xi32>
    %shift_right_arithmetic3A_118 = arith.shrsi %get3A_115, %shift_right_arithmetic3A_117 : vector<1x4096xi32>
    %and3A_119 = arith.constant 1 : i32
    %and3A_120 = vector.broadcast %and3A_119 : i32 to vector<1x4096xi32>
    %and3A_121 = arith.andi %shift_right_arithmetic3A_118, %and3A_120 : vector<1x4096xi32>
    %eq3A_122 = arith.constant 1 : i32
    %eq3A_123 = vector.broadcast %eq3A_122 : i32 to vector<1x4096xi32>
    %eq3A_124 = arith.cmpi eq, %and3A_121, %eq3A_123 : vector<1x4096xi32>
    %slice3A_125 = vector.extract_strided_slice %transpose3A_110 {offsets = [64, 0], sizes = [64, 4096], strides = [1, 1]} : vector<128x4096xf32> to vector<64x4096xf32>
    %slice3A_126 = vector.extract_strided_slice %transpose3A_110 {offsets = [0, 0], sizes = [64, 4096], strides = [1, 1]} : vector<128x4096xf32> to vector<64x4096xf32>
    %broadcast_in_dim3A_127 = vector.shape_cast %eq3A_124 : vector<1x4096xi1> to vector<1x4096xi1>
    %broadcast_in_dim3A_128 = vector.broadcast %broadcast_in_dim3A_127 : vector<1x4096xi1> to vector<64x4096xi1>
    %select_n3A_129 = arith.select %broadcast_in_dim3A_128, %slice3A_125, %slice3A_126 : vector<64x4096xi1>, vector<64x4096xf32>
    %swap3A_130 = arith.constant 4 : index
    %swap3A_131 = arith.constant 0 : index
    %swap3A_132 = arith.constant 0 : index
    %swap3A_133 = vector.load %arg3[%swap3A_130, %swap3A_131, %swap3A_132] : memref<5x64x4096xf32, #tpu.memory_space<vmem>>, vector<1x64x4096xf32>
    %swap3A_134 = vector.shape_cast %swap3A_133 : vector<1x64x4096xf32> to vector<64x4096xf32>
    %swap3A_135 = vector.shape_cast %select_n3A_129 : vector<64x4096xf32> to vector<1x64x4096xf32>
    tpu.vector_store %arg3[%swap3A_130, %swap3A_131, %swap3A_132], %swap3A_135 {strides = array<i32>} : memref<5x64x4096xf32, #tpu.memory_space<vmem>>, vector<1x64x4096xf32>,
    return
  }
  func.func @transform_0(%arg0: i32) -> (i32, i32) {
    %c0_i32 = arith.constant 0 : i32
    %c0_i32_0 = arith.constant 0 : i32
    return %arg0, %c0_i32 : i32, i32
  }
  func.func @transform_1(%arg0: i32) -> (i32, i32, i32) {
    %c0_i32 = arith.constant 0 : i32
    %c0_i32_0 = arith.constant 0 : i32
    %c0_i32_1 = arith.constant 0 : i32
    return %arg0, %c0_i32, %c0_i32_0 : i32, i32, i32
  }
  func.func @transform_2(%arg0: i32) -> (i32, i32, i32) {
    %c0_i32 = arith.constant 0 : i32
    %c0_i32_0 = arith.constant 0 : i32
    %c0_i32_1 = arith.constant 0 : i32
    return %arg0, %c0_i32, %c0_i32_0 : i32, i32, i32
  }
}

</mosaic_0001>

<sc_bundles>
// kernel: kernel.5.cloned.1.call-start
scs
__scs_entry_jumppad:
0x0: {  	(pc) =	sbr.rel $0x88, $3  }
0x1: {  	(tag) =	ssettag $0x0;
	lr =	simm.s32 $0x1  }
0x2: {  	[smem:$0x3F9F] =	sst lr;
	_ =	strace $0xD0000000  }
0x3: {  	_ = 	snop  }
0x4: {  	_ = 	snop  }
0x5: {  	_ = 	snop  }
0x6: {  	_ = 	snop  }
0x7: {  	_ = 	snop  }
__scs_overlays_trampoline_lowered:
0x8: {  	[smem:$0x3FAE] =	sst s0  }
0x9: {  	[smem:$0x3FAF] =	sst s1  }
0xa: {  	[smem:$0x3FB0] =	sst s2  }
0xb: {  	[smem:$0x3FB1] =	sst s3  }
0xc: {  	[smem:$0x3FB2] =	sst s4  }
0xd: {  	[smem:$0x3FB3] =	sst s5  }
0xe: {  	[smem:$0x3FB4] =	sst s6  }
0xf: {  	[smem:$0x3FB5] =	sst s7  }
0x10: {  	[smem:$0x3FB6] =	sst s8  }
0x11: {  	[smem:$0x3FB7] =	sst s9;
	s0 =	simm.s32 @!p0 $0x0  }
0x12: {  	s1 =	sld [smem:$0x3F9D];
	s0 =	simm.s32 @p0 $0x1  }
0x13: {  	[smem:$0x3FB8] =	sst s0;
	s0 =	simm.s32 @!p1 $0x0  }
0x14: {  	s2 =	sld [smem:$0x3F9C];
	s0 =	simm.s32 @p1 $0x1  }
0x15: {  	[smem:$0x3FB9] =	sst s0;
	s0 =	simm.s32 @!p2 $0x0  }
0x16: {  	s3 =	sld [smem:$0x3FDB];
	s0 =	simm.s32 @p2 $0x1  }
0x17: {  	s4 =	simm.s32 $0x1BF5;
	[smem:$0x3FBB] =	sst s0  }
0x18: {  	s0 =	sld [smem:$0x3F9E];
	_ =	swait.ge [sflag:s4], $0x0  }
0x19: {  	s7 =	sld [smem:$0x3F9F]  }
0x1a: {  	s8 =	sadd.s32 $0xFFFFE003, lr  }
0x1b: {  	s9 =	sadd.s32 $0xFFFFFEF7, lr;
	s5 =	simm.s32 $0xFFFFFFFF;
	p2 =	slt.u32 s8, $0xFFFFF086  }
0x1c: {  	p1 =	slt.u32 s9, $0xF7A;
	s5 =	simm.s32 @!p2 $0x0  }
0x1d: {  	s5 =	simm.s32 @p1 $0x1;
	p0 =	seq.s32 s7, s2  }
0x1e: {  	s7 =	smul.u32 @!p0 $0xF7A, s2;
	p2 =	seq.s32 @!p0 s5, $0x0  }
0x1f: {  	s9 =	smul.u32 $0xF7A, s1;
	s8 =	simm.s32 @!p0 $0x1BF5;
	p2 =	por !p2, p0  }
0x20: {  	[sflag:s8] =	ssyncset.s32 @!p0 $0xFFFFF086;
	s6 =	sadd.s32 @!p0 s3, s7;
	s7 =	simm.s32 @!p0 $0x108  }
0x21: {  	s3 =	sadd.s32 s3, s9;
	s6 =	sadd.s32 @!p0 $0x88, s6;
	s7 =	simm.s32 @p2 $0x1082  }
0x22: {  	[simem:s7], [sflag:s8] =	dma.local @!p0 [hbm:s6], $0xF7A  }
0x23: {  	s9 =	sor.u32 $0xD0000000, s2;
	s6 =	simm.s32 $0x108;
	_ =	swait.ge @!p0 [sflag:s8], $0x0  }
0x24: {  	s3 =	sadd.s32 $0x88, s3;
	s6 =	simm.s32 @!p1 $0x1082;
	[sflag:s4] =	ssyncset.s32 $0xFFFFF086  }
0x25: {  	[simem:s6], [sflag:s4] =	dma.local [hbm:s3], $0xF7A  }
0x26: {  	[smem:$0x3F9F] =	sst s1;
	(tag) =	ssettag s2;
	_ =	strace s9  }
0x27: {  	s1 =	sld [smem:$0x3FAF]  }
0x28: {  	s2 =	sld [smem:$0x3FB0]  }
0x29: {  	s4 =	sld [smem:$0x3FB2]  }
0x2a: {  	p0 =	seq.s32 s5, $0x0;
	s5 =	sld [smem:$0x3FB3]  }
0x2b: {  	s6 =	sld [smem:$0x3FB4]  }
0x2c: {  	s7 =	sld [smem:$0x3FB5]  }
0x2d: {  	s3 =	simm.s32 $0x108;
	s8 =	sld [smem:$0x3FB6]  }
0x2e: {  	s3 =	simm.s32 @!p0 $0x1082;
	s9 =	sld [smem:$0x3FB7]  }
0x2f: {  	lr =	sadd.s32 s0, s3;
	s0 =	sld [smem:$0x3FAE]  }
0x30: {  	s3 =	sld [smem:$0x3FB1]  }
0x31: {  	[smem:$0x3FBA] =	sst s10  }
0x32: {  	s10 =	sld [smem:$0x3FB8];
	_ =	sdelay $0x3  }
0x33: {  	p0 =	seq.s32 s10, $0x1;
	s10 =	sld [smem:$0x3FBA];
	_ =	sdelay $0x3  }
0x34: {  	[smem:$0x3FBA] =	sst s10  }
0x35: {  	s10 =	sld [smem:$0x3FB9];
	_ =	sdelay $0x3  }
0x36: {  	p1 =	seq.s32 s10, $0x1;
	s10 =	sld [smem:$0x3FBA];
	_ =	sdelay $0x3  }
0x37: {  	[smem:$0x3FBA] =	sst s10  }
0x38: {  	s10 =	sld [smem:$0x3FBB]  }
0x39: {  	_ = 	snop;
	(pc) =	sbr.ind lr, $3  }
0x3a: {  	_ = 	snop  }
0x3b: {  	_ = 	snop  }
0x3c: {  	p2 =	seq.s32 s10, $0x1;
	s10 =	sld [smem:$0x3FBA]  }
0x3d: {  	_ =	shalt  }
0x3e: {  	_ =	shalt  }
0x3f: {  	_ =	shalt  }
0x40: {  	_ =	shalt  }
0x41: {  	_ =	shalt  }
0x42: {  	_ =	shalt  }
0x43: {  	_ =	shalt  }
0x44: {  	_ =	shalt  }
0x45: {  	_ =	shalt  }
0x46: {  	_ =	shalt  }
0x47: {  	_ =	shalt  }
0x48: {  	_ =	shalt  }
0x49: {  	_ =	shalt  }
0x4a: {  	_ =	shalt  }
0x4b: {  	_ =	shalt  }
0x4c: {  	_ =	shalt  }
0x4d: {  	_ =	shalt  }
0x4e: {  	_ =	shalt  }
0x4f: {  	_ =	shalt  }
0x50: {  	_ =	shalt  }
0x51: {  	_ =	shalt  }
0x52: {  	_ =	shalt  }
0x53: {  	_ =	shalt  }
0x54: {  	_ =	shalt  }
0x55: {  	_ =	shalt  }
0x56: {  	_ =	shalt  }
0x57: {  	_ =	shalt  }
0x58: {  	_ =	shalt  }
0x59: {  	_ =	shalt  }
0x5a: {  	_ =	shalt  }
0x5b: {  	_ =	shalt  }
0x5c: {  	_ =	shalt  }
0x5d: {  	_ =	shalt  }
0x5e: {  	_ =	shalt  }
0x5f: {  	_ =	shalt  }
0x60: {  	_ =	shalt  }
0x61: {  	_ =	shalt  }
0x62: {  	_ =	shalt  }
0x63: {  	_ =	shalt  }
0x64: {  	_ =	shalt  }
0x65: {  	_ =	shalt  }
0x66: {  	_ =	shalt  }
0x67: {  	_ =	shalt  }
0x68: {  	_ =	shalt  }
0x69: {  	_ =	shalt  }
0x6a: {  	_ =	shalt  }
0x6b: {  	_ =	shalt  }
0x6c: {  	_ =	shalt  }
0x6d: {  	_ =	shalt  }
0x6e: {  	_ =	shalt  }
0x6f: {  	_ =	shalt  }
0x70: {  	_ =	shalt  }
0x71: {  	_ =	shalt  }
0x72: {  	_ =	shalt  }
0x73: {  	_ =	shalt  }
0x74: {  	_ =	shalt  }
0x75: {  	_ =	shalt  }
0x76: {  	_ =	shalt  }
0x77: {  	_ =	shalt  }
0x78: {  	_ =	shalt  }
0x79: {  	_ =	shalt  }
0x7a: {  	_ =	shalt  }
0x7b: {  	_ =	shalt  }
0x7c: {  	_ =	shalt  }
0x7d: {  	_ =	shalt  }
0x7e: {  	_ =	shalt  }
0x7f: {  	_ =	shalt  }
0x80: {  	_ =	shalt  }
0x81: {  	_ =	shalt  }
0x82: {  	_ =	shalt  }
0x83: {  	_ =	shalt  }
0x84: {  	_ =	shalt  }
0x85: {  	_ =	shalt  }
0x86: {  	_ =	shalt  }
0x87: {  	_ =	shalt  }
.Lfunc_end0:
.L_simem_size_0:
called_computation_lowered:
.L_overlay_start_0:
0x88: {  	s2 =	sld [smem:$0x3FD9]  }
0x89: {  	s3 =	sld [smem:$0x3FFE];
	_ =	sdelay $0x1  }
0x8a: {  	s1 =	srdreg.scid  }
0x8b: {  	s0 =	sand.u32 $0x1, s1  }
0x8c: {  	s17 =	sshll.u32 s0, $0xA;
	s2 =	sadd.s32 s3, s2  }
0x8d: {  	s2 =	sadd.s32 s2, s17  }
0x8e: {  	[smem:$0x3FC6] =	sst s2  }
0x8f: {  	_ = 	snop  }
0x90: {  	s2 =	sld [smem:$0x3FD0];
	(tm) =	ssettm $0x1  }
0x91: {  	s18 =	sld [smem:$0x3FFB];
	_ =	sdelay $0x3  }
0x92: {  	_ =	strace s18  }
0x93: {  	s3 =	sld [smem:$0x3FFC];
	_ =	sdelay $0x3  }
0x94: {  	_ =	strace s3  }
0x95: {  	s3 =	sld [smem:$0x3FFD];
	_ =	sdelay $0x3  }
0x96: {  	_ =	strace s3  }
0x97: {  	_ =	strace $0x8FFFFFFF  }
0x98: {  	s19 =	sld [smem:$0x3FDB];
	_ =	sdelay $0x1  }
0x99: {  	s4 =	simm.s32 $_scs_section_size  }
0x9a: {  	s5 =	simm.s32 $_size__tile_overlayer_lowered;
	s6 =	simm.s32 $_tile_overlayer_lowered  }
0x9b: {  	s22 =	simm.s32 $0x1BFF;
	s21 =	sshll.u32 s6, $0x1;
	s3 =	sadd.s32 s4, s19  }
0x9c: {  	s7 =	simm.s32 $0x0;
	s20 =	sshll.u32 s5, $0x1;
	s5 =	sadd.s32 s21, s3  }
0x9d: {  	[timem:s7], [sflag:s22] =	dma.local [hbm:s5], s20  }
0x9e: {  	_ =	swait.ge [sflag:s22], s20  }
0x9f: {  	s4 =	ssub.s32 $0x0, s20;
	[sflag:s22] =	ssyncset.done $0x0  }
0xa0: {  	[sflag:s22] =	ssyncadd.s32 s4;
	_ =	sdelay $0x1  }
0xa1: {  	s23 =	simm.s32 $0x1B8B  }
0xa2: {  	_ =	swait.ge [sflag:s23], $0x1  }
0xa3: {  	[sflag:s23] =	ssyncset.done $0x0  }
0xa4: {  	s25 =	simm.s32 $0x1B8E;
	s24 =	sld [smem:$0x3FFE];
	[sflag:s23] =	ssyncadd.s32 $0xFFFFFFFF  }
0xa5: {  	s26 =	simm.s32 $execute0_lowered;
	[smem:$0x3FD2] =	sst s25  }
0xa6: {  	s5 =	sshll.u32 s26, $0x1;
	_ =	strace $0x80000046;
	[dreg:$0x1] =	wrdreg $0xFFFFFFFF  }
0xa7: {  	s28 =	simm.s32 $_size_execute0_lowered;
	s3 =	sadd.s32 s3, s5;
	[dreg:$0x0] =	wrdreg $0x0  }
0xa8: {  	s5 =	sshll.u32 s28, $0x1;
	[dreg:$0x2] =	wrdreg s3  }
0xa9: {  	[dreg:$0x3] =	wrdreg s5  }
0xaa: {  	[dreg:$0x4] =	wrdreg $0xC0  }
0xab: {  	_ =	task [dreg:s7], $0x5FFFF  }
0xac: {  	[dreg:$0x1] =	wrdreg $0xFFFFFFFF  }
0xad: {  	[dreg:$0x0] =	wrdreg $0x60  }
0xae: {  	[dreg:$0x2] =	wrdreg s24  }
0xaf: {  	[dreg:$0x3] =	wrdreg s2  }
0xb0: {  	[dreg:$0x4] =	wrdreg $0x9  }
0xb1: {  	_ =	task.clear_ibuf [dreg:s7], $0x5FFFF;
	_ =	strace $0x90000046  }
0xb2: {  	s29 =	simm.s32 $0x9;
	_ =	strace $0x80000048  }
0xb3: {  	_ =	swait.ge [sflag:s29], $0x1  }
0xb4: {  	[sflag:s29] =	ssyncadd.s32 $0xFFFFFFFF  }
0xb5: {  	_ =	strace $0x90000048  }
0xb6: {  	_ =	sfence  }
0xb7: {  	s30 =	sld [smem:$0x0];
	_ =	sdelay $0x2  }
0xb8: {  	s31 =	sshll.u32 s1, $0xD;
	s1 =	sshrl.u32 s1, $0x2  }
0xb9: {  	s3 =	sand.u32 $0x4000, s31;
	s1 =	sadd.s32 s1, s30  }
0xba: {  	s0 =	sor.u32 s3, s0;
	s1 =	sshll.u32 s1, $0x11  }
0xbb: {  	s0 =	sor.u32 s1, s0  }
0xbc: {  	s0 =	sadd.s32 $0x8F2B, s0  }
0xbd: {  	[sflag:s0] =	ssyncadd.remote.s32 $0x1  }
0xbe: {  	_ =	sfence.sel $0xFFFF  }
0xbf: {  	[dreg:$0x0] =	wrdreg $0xFFFFFFFF;
	(pc) =	sbr.abs _section_cstart, $3  }
0xc0: {  	[dreg:$0x1] =	wrdreg $0xFFFFFFFF  }
0xc1: {  	_ =	task.clear_ibuf [dreg:s7], $0x2FFFF;
	_ =	strace $0x9FFFFFFF  }
0xc2: {  	(tm) =	ssettm $0x7FFFFFFF  }
0xc3: {  	_ =	shalt  }
tec
execute0_lowered:
.L_overlay_start_1:
0x0: {  	(tag) =	ssettag $0x1  }
0x1: {  	s0 =	rddreg [dreg:$0x0]  }
0x2: {  	s1 =	rddreg [dreg:$0x1];
	s5 =	stileid.u32  }
0x3: {  	s3 =	srdreg.scid;
	s2 =	simm.s32 $0x0;
	s28 =	simm.s32 $0x1  }
0x4: {  	s29 =	simm.s32 $0xB;
	s30 =	simm.s32 $0x2;
	s31 =	simm.s32 $0xC  }
0x5: {  	s11 =	simm.s32 $0x4;
	s13 =	simm.s32 $0xE;
	s15 =	simm.s32 $0x5  }
0x6: {  	s17 =	simm.s32 $0xF;
	s19 =	simm.s32 $0x6;
	s21 =	simm.s32 $0x10  }
0x7: {  	s9 =	simm.s32 $0xA;
	s10 =	simm.s32 $0x14;
	s14 =	simm.s32 $0x0  }
0x8: {  	s4 =	sand.u32 $0x1, s3;
	s23 =	sshll.u32 s5, $0x1;
	[smem:$0x7FF] =	sst s2  }
0x9: {  	s5 =	smul.u32 $0x32000, s5;
	s3 =	sor.u32 s4, s23;
	_ =	strace $0x80000047  }
0xa: {  	s6 =	ssub.s32 $0x2, s4;
	s4 =	smul.u32 $0x19000, s4;
	s23 =	simm.s32 $0x7  }
0xb: {  	s7 =	smul.u32 $0x1900, s3;
	s3 =	sadd.s32 $0x800, s0;
	s8 =	sshrl.u32 s6, $0x1  }
0xc: {  	s0 =	sadd.s32 s5, s0;
	s5 =	simm.s32 $0x12;
	s24 =	ssub.s32 s6, s8  }
0xd: {  	s0 =	sadd.s32 s4, s0;
	s8 =	simm.s32 $0x40;
	s4 =	simm.s32 $0x8  }
.Ltmp0:
0xe: {  	s6 =	simm.s32 $0x9;
	s25 =	sshrl.u32 s7, $0x3;
	(pc) =	sbr.rel .LBB2_1-.Ltmp0, $4  }
0xf: {  	s26 =	smax.u32 s24, $0x1;
	s0 =	sadd.s32 $0x7C2C00, s0;
	s24 =	simm.s32 $0x11900  }
0x10: {  	s7 =	simm.s32 $0x13;
	s1 =	sadd.s32 s1, s25;
	[dreg:$0x4] =	wrdreg s26  }
0x11: {  	[dreg:$0x5] =	wrdreg s0;
	s26 =	simm.s32 $0x13900;
	s0 =	simm.s32 $0x3  }
0x12: {  	s25 =	simm.s32 $0x11;
	[dreg:$0x3] =	wrdreg s1;
	s1 =	simm.s32 $0xD  }
.LBB2_4:
0x13: {  	s14 =	rddreg [dreg:$0x6]  }
0x14: {  	s12 =	rddreg [dreg:$0x4];
	s14 =	sadd.s32 $0x1, s14  }
0x15: {  	p0 =	sne.s32 s14, s12  }
.Ltmp1:
0x16: {  	_ = 	snop;
	(pc) =	sbr.rel @!p0 .LBB2_5-.Ltmp1, $1  }
0x17: {  	_ =	sdelay $0x3  }
.LBB2_1:
0x18: {  	[dreg:$0x6] =	wrdreg s14  }
0x19: {  	s12 =	rddreg [dreg:$0x3];
	s14 =	simm.s32 $0x15  }
0x1a: {  	[tilespmem:s2], [sflag:$0x15] =	stream.linear.gather [hbm4b:s12+s2], $0x1900, $0x38;
	[tilespmem:$0x15900] =	vst v63  }
0x1b: {  	_ =	swait.ge [sflag:s14], $0x1900  }
0x1c: {  	[sflag:s14] =	ssyncset.done $0x0  }
0x1d: {  	s16 =	simm.s32 $0x1900;
	[sflag:s14] =	ssyncadd.s32 $0xFFFFE700  }
0x1e: {  	[tilespmem:s16], [sflag:$0x1] =	stream.indirect.gather [hbm4b:s3+s8], $0x80, s2, s8, $0xb8;
	[tilespmem:$0x15900] =	vst v63  }
0x1f: {  	s18 =	simm.s32 $0x3900  }
0x20: {  	[tilespmem:s18], [sflag:$0x2] =	stream.indirect.gather [hbm4b:s3+s8], $0x80, s8, s8, $0xb8;
	[tilespmem:$0x15900] =	vst v63  }
0x21: {  	s20 =	simm.s32 $0x80;
	s22 =	simm.s32 $0x5900  }
0x22: {  	[tilespmem:s22], [sflag:$0x3] =	stream.indirect.gather [hbm4b:s3+s8], $0x80, s20, s8, $0xb8;
	[tilespmem:$0x15900] =	vst v63  }
0x23: {  	s16 =	simm.s32 $0xC0;
	s18 =	simm.s32 $0x7900  }
0x24: {  	[tilespmem:s18], [sflag:$0x4] =	stream.indirect.gather [hbm4b:s3+s8], $0x80, s16, s8, $0xb8;
	[tilespmem:$0x15900] =	vst v63  }
0x25: {  	s20 =	simm.s32 $0x100;
	s22 =	simm.s32 $0x9900  }
0x26: {  	[tilespmem:s22], [sflag:$0x5] =	stream.indirect.gather [hbm4b:s3+s8], $0x80, s20, s8, $0xb8;
	[tilespmem:$0x15900] =	vst v63  }
0x27: {  	s16 =	simm.s32 $0x140;
	s18 =	simm.s32 $0xB900  }
0x28: {  	[tilespmem:s18], [sflag:$0x6] =	stream.indirect.gather [hbm4b:s3+s8], $0x80, s16, s8, $0xb8;
	[tilespmem:$0x15900] =	vst v63  }
0x29: {  	s20 =	simm.s32 $0x180;
	s22 =	simm.s32 $0xD900  }
0x2a: {  	[tilespmem:s22], [sflag:$0x7] =	stream.indirect.gather [hbm4b:s3+s8], $0x80, s20, s8, $0xb8;
	[tilespmem:$0x15900] =	vst v63  }
0x2b: {  	s16 =	simm.s32 $0x1C0;
	s18 =	simm.s32 $0xF900  }
0x2c: {  	[tilespmem:s18], [sflag:$0x8] =	stream.indirect.gather [hbm4b:s3+s8], $0x80, s16, s8, $0xb8;
	[tilespmem:$0x15900] =	vst v63  }
0x2d: {  	s20 =	simm.s32 $0x200  }
0x2e: {  	[tilespmem:s24], [sflag:$0x9] =	stream.indirect.gather [hbm4b:s3+s8], $0x80, s20, s8, $0xb8;
	[tilespmem:$0x15900] =	vst v63  }
0x2f: {  	s12 =	rddreg [dreg:$0x5];
	s14 =	simm.s32 $0x0;
	s22 =	simm.s32 $0x240  }
0x30: {  	[tilespmem:s26], [sflag:$0xA] =	stream.indirect.gather [hbm4b:s3+s8], $0x80, s22, s8, $0xb8;
	[tilespmem:$0x15900] =	vst v63  }
.LBB2_2:
0x31: {  	_ =	swait.ge [sflag:s28], $0x2000  }
0x32: {  	[sflag:s28] =	ssyncset.done $0x0  }
0x33: {  	s16 =	sadd.s32 $0xFFFFDC00, s12;
	s18 =	simm.s32 $0x1900;
	[sflag:s28] =	ssyncadd.s32 $0xFFFFE000  }
0x34: {  	[hbm4b:s16+s2] =	stream.linear.scatter [tilespmem:s18], [sflag:$0xB], $0x2000, $0x38;
	[tilespmem:$0x15900] =	vst v63  }
0x35: {  	p0 =	seq.s32 s14, $0x5A00;
	_ =	swait.ge [sflag:s29], $0x2000  }
0x36: {  	s22 =	simm.s32 @!p0 $0x1900;
	s16 =	sshra.s32 @!p0 s14, $0x2;
	[sflag:s29] =	ssyncset.done $0x0  }
0x37: {  	s18 =	simm.s32 @!p0 $0x40;
	s20 =	sadd.s32 @!p0 $0x280, s16;
	[sflag:s29] =	ssyncadd.s32 $0xFFFFE000  }
0x38: {  	[tilespmem:s22], [sflag:$0x1] =	stream.indirect.gather @!p0 [hbm4b:s3+s18], $0x80, s20, s18, $0xb8;
	[tilespmem:$0x15900] =	vst v63  }
0x39: {  	_ =	swait.ge [sflag:s30], $0x2000  }
0x3a: {  	[sflag:s30] =	ssyncset.done $0x0  }
0x3b: {  	s20 =	sadd.s32 $0xFFFFE000, s12;
	s22 =	simm.s32 $0x3900;
	[sflag:s30] =	ssyncadd.s32 $0xFFFFE000  }
0x3c: {  	[hbm4b:s20+s2] =	stream.linear.scatter [tilespmem:s22], [sflag:$0xC], $0x2000, $0x38;
	[tilespmem:$0x15900] =	vst v63  }
0x3d: {  	_ =	swait.ge [sflag:s31], $0x2000  }
0x3e: {  	[sflag:s31] =	ssyncset.done $0x0  }
0x3f: {  	s20 =	sadd.s32 @!p0 $0x2C0, s16;
	s22 =	simm.s32 @!p0 $0x3900;
	[sflag:s31] =	ssyncadd.s32 $0xFFFFE000  }
0x40: {  	[tilespmem:s22], [sflag:$0x2] =	stream.indirect.gather @!p0 [hbm4b:s3+s18], $0x80, s20, s18, $0xb8;
	[tilespmem:$0x15900] =	vst v63  }
0x41: {  	_ =	swait.ge [sflag:s0], $0x2000  }
0x42: {  	[sflag:s0] =	ssyncset.done $0x0  }
0x43: {  	s20 =	sadd.s32 $0xFFFFE400, s12;
	s22 =	simm.s32 $0x5900;
	[sflag:s0] =	ssyncadd.s32 $0xFFFFE000  }
0x44: {  	[hbm4b:s20+s2] =	stream.linear.scatter [tilespmem:s22], [sflag:$0xD], $0x2000, $0x38;
	[tilespmem:$0x15900] =	vst v63  }
0x45: {  	_ =	swait.ge [sflag:s1], $0x2000  }
0x46: {  	[sflag:s1] =	ssyncset.done $0x0  }
0x47: {  	s20 =	sadd.s32 @!p0 $0x300, s16;
	s22 =	simm.s32 @!p0 $0x5900;
	[sflag:s1] =	ssyncadd.s32 $0xFFFFE000  }
0x48: {  	[tilespmem:s22], [sflag:$0x3] =	stream.indirect.gather @!p0 [hbm4b:s3+s18], $0x80, s20, s18, $0xb8;
	[tilespmem:$0x15900] =	vst v63  }
0x49: {  	_ =	swait.ge [sflag:s11], $0x2000  }
0x4a: {  	[sflag:s11] =	ssyncset.done $0x0  }
0x4b: {  	s20 =	sadd.s32 $0xFFFFE800, s12;
	s22 =	simm.s32 $0x7900;
	[sflag:s11] =	ssyncadd.s32 $0xFFFFE000  }
0x4c: {  	[hbm4b:s20+s2] =	stream.linear.scatter [tilespmem:s22], [sflag:$0xE], $0x2000, $0x38;
	[tilespmem:$0x15900] =	vst v63  }
0x4d: {  	_ =	swait.ge [sflag:s13], $0x2000  }
0x4e: {  	[sflag:s13] =	ssyncset.done $0x0  }
0x4f: {  	s20 =	sadd.s32 @!p0 $0x340, s16;
	s22 =	simm.s32 @!p0 $0x7900;
	[sflag:s13] =	ssyncadd.s32 $0xFFFFE000  }
0x50: {  	[tilespmem:s22], [sflag:$0x4] =	stream.indirect.gather @!p0 [hbm4b:s3+s18], $0x80, s20, s18, $0xb8;
	[tilespmem:$0x15900] =	vst v63  }
0x51: {  	_ =	swait.ge [sflag:s15], $0x2000  }
0x52: {  	[sflag:s15] =	ssyncset.done $0x0  }
0x53: {  	s20 =	sadd.s32 $0xFFFFEC00, s12;
	s22 =	simm.s32 $0x9900;
	[sflag:s15] =	ssyncadd.s32 $0xFFFFE000  }
0x54: {  	[hbm4b:s20+s2] =	stream.linear.scatter [tilespmem:s22], [sflag:$0xF], $0x2000, $0x38;
	[tilespmem:$0x15900] =	vst v63  }
0x55: {  	_ =	swait.ge [sflag:s17], $0x2000  }
0x56: {  	[sflag:s17] =	ssyncset.done $0x0  }
0x57: {  	s20 =	sadd.s32 @!p0 $0x380, s16;
	s22 =	simm.s32 @!p0 $0x9900;
	[sflag:s17] =	ssyncadd.s32 $0xFFFFE000  }
0x58: {  	[tilespmem:s22], [sflag:$0x5] =	stream.indirect.gather @!p0 [hbm4b:s3+s18], $0x80, s20, s18, $0xb8;
	[tilespmem:$0x15900] =	vst v63  }
0x59: {  	_ =	swait.ge [sflag:s19], $0x2000  }
0x5a: {  	[sflag:s19] =	ssyncset.done $0x0  }
0x5b: {  	s20 =	sadd.s32 $0xFFFFF000, s12;
	s22 =	simm.s32 $0xB900;
	[sflag:s19] =	ssyncadd.s32 $0xFFFFE000  }
0x5c: {  	[hbm4b:s20+s2] =	stream.linear.scatter [tilespmem:s22], [sflag:$0x10], $0x2000, $0x38;
	[tilespmem:$0x15900] =	vst v63  }
0x5d: {  	_ =	swait.ge [sflag:s21], $0x2000  }
0x5e: {  	[sflag:s21] =	ssyncset.done $0x0  }
0x5f: {  	s20 =	sadd.s32 @!p0 $0x3C0, s16;
	s22 =	simm.s32 @!p0 $0xB900;
	[sflag:s21] =	ssyncadd.s32 $0xFFFFE000  }
0x60: {  	[tilespmem:s22], [sflag:$0x6] =	stream.indirect.gather @!p0 [hbm4b:s3+s18], $0x80, s20, s18, $0xb8;
	[tilespmem:$0x15900] =	vst v63  }
0x61: {  	_ =	swait.ge [sflag:s23], $0x2000  }
0x62: {  	[sflag:s23] =	ssyncset.done $0x0  }
0x63: {  	s20 =	sadd.s32 $0xFFFFF400, s12;
	s22 =	simm.s32 $0xD900;
	[sflag:s23] =	ssyncadd.s32 $0xFFFFE000  }
0x64: {  	[hbm4b:s20+s2] =	stream.linear.scatter [tilespmem:s22], [sflag:$0x11], $0x2000, $0x38;
	[tilespmem:$0x15900] =	vst v63  }
0x65: {  	_ =	swait.ge [sflag:s25], $0x2000  }
0x66: {  	[sflag:s25] =	ssyncset.done $0x0  }
0x67: {  	s20 =	sadd.s32 @!p0 $0x400, s16;
	s22 =	simm.s32 @!p0 $0xD900;
	[sflag:s25] =	ssyncadd.s32 $0xFFFFE000  }
0x68: {  	[tilespmem:s22], [sflag:$0x7] =	stream.indirect.gather @!p0 [hbm4b:s3+s18], $0x80, s20, s18, $0xb8;
	[tilespmem:$0x15900] =	vst v63  }
0x69: {  	_ =	swait.ge [sflag:s4], $0x2000  }
0x6a: {  	[sflag:s4] =	ssyncset.done $0x0  }
0x6b: {  	s20 =	sadd.s32 $0xFFFFF800, s12;
	s22 =	simm.s32 $0xF900;
	[sflag:s4] =	ssyncadd.s32 $0xFFFFE000  }
0x6c: {  	[hbm4b:s20+s2] =	stream.linear.scatter [tilespmem:s22], [sflag:$0x12], $0x2000, $0x38;
	[tilespmem:$0x15900] =	vst v63  }
0x6d: {  	_ =	swait.ge [sflag:s5], $0x2000  }
0x6e: {  	[sflag:s5] =	ssyncset.done $0x0  }
0x6f: {  	s20 =	sadd.s32 @!p0 $0x440, s16;
	s22 =	simm.s32 @!p0 $0xF900;
	[sflag:s5] =	ssyncadd.s32 $0xFFFFE000  }
0x70: {  	[tilespmem:s22], [sflag:$0x8] =	stream.indirect.gather @!p0 [hbm4b:s3+s18], $0x80, s20, s18, $0xb8;
	[tilespmem:$0x15900] =	vst v63  }
0x71: {  	_ =	swait.ge [sflag:s6], $0x2000  }
0x72: {  	[sflag:s6] =	ssyncset.done $0x0  }
0x73: {  	s22 =	sadd.s32 $0xFFFFFC00, s12;
	[sflag:s6] =	ssyncadd.s32 $0xFFFFE000  }
0x74: {  	[hbm4b:s22+s2] =	stream.linear.scatter [tilespmem:s24], [sflag:$0x13], $0x2000, $0x38;
	[tilespmem:$0x15900] =	vst v63  }
0x75: {  	_ =	swait.ge [sflag:s7], $0x2000  }
0x76: {  	[sflag:s7] =	ssyncset.done $0x0  }
0x77: {  	s16 =	sadd.s32 @!p0 $0x480, s16;
	s20 =	simm.s32 @!p0 $0x11900;
	[sflag:s7] =	ssyncadd.s32 $0xFFFFE000  }
0x78: {  	[tilespmem:s20], [sflag:$0x9] =	stream.indirect.gather @!p0 [hbm4b:s3+s18], $0x80, s16, s18, $0xb8;
	[tilespmem:$0x15900] =	vst v63  }
0x79: {  	_ =	swait.ge [sflag:s9], $0x2000  }
0x7a: {  	[sflag:s9] =	ssyncset.done $0x0  }
.Ltmp2:
0x7b: {  	[sflag:s9] =	ssyncadd.s32 $0xFFFFE000;
	(pc) =	sbr.rel @p0 .LBB2_4-.Ltmp2, $4  }
0x7c: {  	[hbm4b:s12+s2] =	stream.linear.scatter [tilespmem:s26], [sflag:$0x14], $0x2000, $0x38;
	[tilespmem:$0x15900] =	vst v63  }
0x7d: {  	_ =	swait.ge [sflag:s10], $0x2000  }
0x7e: {  	[sflag:s10] =	ssyncset.done $0x0  }
0x7f: {  	[sflag:s10] =	ssyncadd.s32 $0xFFFFE000  }
.Ltmp3:
0x80: {  	(pc) =	sbr.rel .LBB2_2-.Ltmp3, $4  }
0x81: {  	_ = 	snop  }
0x82: {  	s16 =	sshra.s32 s14, $0x2  }
0x83: {  	s14 =	sadd.s32 $0xA00, s14;
	s12 =	sadd.s32 $0x2800, s12;
	s16 =	sadd.s32 $0x4C0, s16  }
0x84: {  	[tilespmem:s26], [sflag:$0xA] =	stream.indirect.gather [hbm4b:s3+s8], $0x80, s16, s8, $0xb8;
	[tilespmem:$0x15900] =	vst v63  }
.LBB2_5:
0x85: {  	_ =	sfence.sel $0x180000  }
0x86: {  	[bflag:$0x0] =	sbarrier.arrive $0xFFFF  }
0x87: {  	_ =	strace $0x90000047  }
0x88: {  	s0 =	stileid.u32;
	[bflag:$0x2] =	sbarrier.arrive $0xFFFF  }
0x89: {  	p0 =	sne.s32 s0, $0x0;
	s0 =	rddreg [dreg:$0x2]  }
0x8a: {  	s0 =	sadd.s32 @!p0 $0x100000, s0  }
0x8b: {  	[sflag:s0] =	ssyncadd.tile.s32 @!p0 $0x1;
	_ =	shalt  }
.Lfunc_end2:
_tile_overlayer_lowered:
.L_overlay_start_2:
0x8c: {  	(tag) =	ssettag $0x2  }
0x8d: {  	s0 =	rddreg [dreg:$0x0];
	s2 =	stileid.u32  }
0x8e: {  	s1 =	rddreg [dreg:$0x1];
	p0 =	sne.s32 s2, $0x0  }
0x8f: {  	s3 =	rddreg [dreg:$0x2];
	[bflag:$0x3] =	sbarrier.arrive $0xFFFF;
	s2 =	simm.s32 @!p0 $0x1C15  }
0x90: {  	[timem:s3], [sflag:s2] =	dma.local @!p0 [hbm:s0], s1  }
0x91: {  	s0 =	simm.s32 @!p0 $0x15  }
0x92: {  	_ =	swait.ge @!p0 [sflag:s0], s1  }
0x93: {  	s1 =	ssub.s32 @!p0 $0x0, s1;
	[sflag:s0] =	ssyncset.done @!p0 $0x0  }
0x94: {  	[sflag:s0] =	ssyncadd.s32 @!p0 s1  }
0x95: {  	[bflag:$0x3] =	sbarrier.arrive $0xFFFF  }
0x96: {  	_ =	shalt  }

</sc_bundles>
